<compile_context>
chip_gen: v7x
topology: tpu7x:2x2x1
jax: 0.10.2.dev20260603
libtpu: 0.0.44.dev20260713+nightly
codegen_flags: <defaults>
</compile_context>

<pallas_src>
import functools

import jax
import jax.numpy as jnp
from jax import lax
from jax.experimental import pallas as pl
from jax.experimental.pallas import tpu as pltpu
from jax.experimental.pallas import tpu_sc as plsc

_NE = 16
_H = 1024
_I = 2048
_T = 128
_NJ = 2
_BI = _I // _NJ

_SC_CORES = 1
_SC_WORKERS = 16 * _SC_CORES
_TPW = _T // _SC_WORKERS


def _logits_body(x_ref, rw_ref, out_ref):
    out_ref[...] = jax.lax.dot_general(
        x_ref[...], rw_ref[...], (((1,), (1,)), ((), ())),
        preferred_element_type=jnp.float32)


def _router_logits(x, rw):
    return pl.pallas_call(
        _logits_body,
        out_shape=jax.ShapeDtypeStruct((_T, _NE), jnp.float32),
    )(x, rw)


def _sc_router_body(lg_hbm, dw_hbm, lv, ov, sem):
    wid = lax.axis_index("s") * _SC_CORES + lax.axis_index("c")
    base = wid * _TPW
    pltpu.async_copy(lg_hbm.at[pl.ds(base, _TPW)], lv, sem).wait()
    idx = lax.iota(jnp.int32, _NE)
    for i in range(_TPW):
        v = lv[i]
        m = jnp.max(v)
        ex = jnp.exp(v - m)
        probs = ex / jnp.sum(ex)
        pmax = jnp.max(probs)
        first = jnp.min(jnp.where(probs >= pmax, idx, _NE))
        ov[i] = jnp.where(idx == first, pmax, 0.0)
    pltpu.async_copy(ov, dw_hbm.at[pl.ds(base, _TPW)], sem).wait()


def _sc_router(logits):
    mesh = plsc.VectorSubcoreMesh(core_axis_name="c", subcore_axis_name="s",
                                  num_cores=_SC_CORES)
    kern = functools.partial(
        pl.kernel,
        out_type=jax.ShapeDtypeStruct((_T, _NE), jnp.float32),
        mesh=mesh,
        scratch_types=[
            pltpu.VMEM((_TPW, _NE), jnp.float32),
            pltpu.VMEM((_TPW, _NE), jnp.float32),
            pltpu.SemaphoreType.DMA,
        ],
        compiler_params=pltpu.CompilerParams(needs_layout_passes=False),
    )(_sc_router_body)
    return kern(logits)


def _moe_body(x_ref, dw_ref, wg_ref, wu_ref, w2s_ref, out_ref):
    e = pl.program_id(0)
    j = pl.program_id(1)

    @pl.when((e == 0) & (j == 0))
    def _init():
        out_ref[...] = jnp.zeros_like(out_ref)

    xb = x_ref[...].astype(jnp.bfloat16)
    gate = jax.lax.dot_general(
        xb, wg_ref[0].astype(jnp.bfloat16), (((1,), (1,)), ((), ())),
        preferred_element_type=jnp.float32)
    up = jax.lax.dot_general(
        xb, wu_ref[0].astype(jnp.bfloat16), (((1,), (1,)), ((), ())),
        preferred_element_type=jnp.float32)
    act = (gate * jax.lax.logistic(gate)) * up
    eids = jax.lax.broadcasted_iota(jnp.int32, (_T, _NE), 1)
    we = jnp.sum(jnp.where(eids == e, dw_ref[...], 0.0), axis=1,
                 keepdims=True)
    actb = (act * we).astype(jnp.bfloat16)
    contrib = jax.lax.dot_general(
        actb, w2s_ref[0].astype(jnp.bfloat16), (((1,), (1,)), ((), ())),
        preferred_element_type=jnp.float32)
    out_ref[...] += contrib


def _run_experts(x, dw, ws, w2s):
    return pl.pallas_call(
        _moe_body,
        grid=(_NE, _NJ),
        in_specs=[
            pl.BlockSpec((_T, _H), lambda e, j: (0, 0)),
            pl.BlockSpec((_T, _NE), lambda e, j: (0, 0)),
            pl.BlockSpec((1, _BI, _H), lambda e, j: (e, j, 0)),
            pl.BlockSpec((1, _BI, _H), lambda e, j: (e, j + _NJ, 0)),
            pl.BlockSpec((1, _H, _BI), lambda e, j: (e, 0, j)),
        ],
        out_specs=pl.BlockSpec((_T, _H), lambda e, j: (0, 0)),
        out_shape=jax.ShapeDtypeStruct((_T, _H), jnp.float32),
        compiler_params=pltpu.CompilerParams(
            dimension_semantics=("arbitrary", "arbitrary")),
    )(x, dw, ws, ws, w2s)


def kernel(hidden_states, router_w, ws, w2s, top_k):
    logits = _router_logits(hidden_states, router_w)
    dw = _sc_router(logits)
    out = _run_experts(hidden_states, dw, ws, w2s)
    return out * (jnp.asarray(top_k, jnp.float32) / 1.0)

# --- scband reference (transcript-rebuilt; emitter-appended) ---
"""Pipeline reference for scband-jamba-mo-e-10445360464008 (READ-ONLY COPY).

The authoritative reference and input builder live on the scoring server;
editing this copy changes nothing except your own understanding.
"""

import jax, jax.numpy as jnp
import numpy as np

NUM_EXPERTS = 16
TOP_K = 1
HIDDEN = 1024
INTER = 2048
NUM_TOKENS = 128


def setup_inputs(seed: int = 0) -> dict:
    key = jax.random.key(seed)
    k1, k2, k3, k4 = jax.random.split(key, 4)
    hidden_states = jax.random.normal(k1, (NUM_TOKENS, HIDDEN), dtype=jnp.float32)
    router_w = jax.random.normal(k2, (NUM_EXPERTS, HIDDEN), dtype=jnp.float32) * 0.02
    # ws: [E, 2*I, H] = stacked [gate_proj; up_proj] per expert
    ws = jax.random.normal(k3, (NUM_EXPERTS, 2 * INTER, HIDDEN), dtype=jnp.float32) * 0.02
    # w2s: [E, H, I] = down_proj per expert
    w2s = jax.random.normal(k4, (NUM_EXPERTS, HIDDEN, INTER), dtype=jnp.float32) * 0.02
    return {"hidden_states": hidden_states, "router_w": router_w, "ws": ws, "w2s": w2s, "top_k": TOP_K}


def reference(hidden_states, router_w, ws, w2s, top_k):
    num_tokens, hidden_size = hidden_states.shape
    num_experts = ws.shape[0]
    inter = ws.shape[1] // 2
    # router: ReplicatedLinear, no bias
    router_logits = hidden_states @ router_w.T  # [T, E]
    # fused_moe with renormalize=False: softmax over ALL experts, then take top-k probs as weights
    probs = jax.nn.softmax(router_logits, axis=-1)
    topk_w, topk_idx = jax.lax.top_k(probs, TOP_K)  # [T, K]
    topk_w = topk_w * (jnp.asarray(top_k, dtype=topk_w.dtype) / TOP_K)
    # dense routing weight matrix [T, E]
    one_hot = jax.nn.one_hot(topk_idx, num_experts, dtype=hidden_states.dtype)  # [T, K, E]
    dense_w = jnp.einsum("tk,tke->te", topk_w, one_hot)  # [T, E]
    # per-expert SwiGLU MLP applied to all tokens (dense equivalent of fused kernel)
    h = jnp.einsum("th,eih->eti", hidden_states, ws)  # [E, T, 2I]
    gate = h[:, :, :inter]
    up = h[:, :, inter:]
    act = jax.nn.silu(gate) * up  # [E, T, I]
    expert_out = jnp.einsum("eti,ehi->eth", act, w2s)  # [E, T, H]
    out = jnp.einsum("te,eth->th", dense_w, expert_out)  # [T, H]
    return out.reshape(num_tokens, hidden_size)

if __name__ == "__main__":
    import jax
    _d = setup_inputs()
    print(jax.jit(kernel)(*tuple(_d.values())))

</pallas_src>

<mosaic_0001>
#map = affine_map<(d0, d1) -> (0, 0)>
module attributes {stable_mosaic.version = 14 : i64} {
  func.func @_sc_router_body(%arg0: i32, %arg1: i32, %arg2: memref<128x16xf32, #tpu.memory_space<hbm>>, %arg3: memref<128x16xf32, #tpu.memory_space<hbm>>, %arg4: memref<8x16xf32, #tpu.memory_space<vmem>>, %arg5: memref<8x16xf32, #tpu.memory_space<vmem>>, %arg6: memref<!tpu.dma_semaphore, #tpu.memory_space<semaphore_mem>>) attributes {dimension_semantics = [#tpu.dimension_semantics<core_parallel>, #tpu.dimension_semantics<subcore_parallel>], iteration_bounds = array<i64: 1, 16>, scalar_prefetch = 0 : i64, scratch_operands = 3 : i64, tpu.core_type = #tpu.core_type<sc_vector_subcore>, window_params = [{transform_indices = #map}, {transform_indices = #map}]} {
    %mul3A = arith.constant 1 : i32
    %mul3A_0 = arith.muli %arg1, %mul3A : i32
    %add3A = arith.addi %mul3A_0, %arg0 : i32
    %mul3A_1 = arith.constant 8 : i32
    %mul3A_2 = arith.muli %add3A, %mul3A_1 : i32
    %dma_start3A = arith.constant 0 : i32
    %dma_start3A_3 = tpu.memref_slice %arg2[%mul3A_2, %dma_start3A] : memref<128x16xf32, #tpu.memory_space<hbm>> -> memref<8x16xf32, #tpu.memory_space<hbm>>
    %dma_start3A_4 = arith.constant 0 : i32
    %dma_start3A_5 = tpu.memref_slice %arg2[%mul3A_2, %dma_start3A_4] : memref<128x16xf32, #tpu.memory_space<hbm>> -> memref<8x16xf32, #tpu.memory_space<hbm>>
    tpu.enqueue_dma source(%dma_start3A_5 : memref<8x16xf32, #tpu.memory_space<hbm>>) target(%arg4 : memref<8x16xf32, #tpu.memory_space<vmem>>) target_semaphore(%arg6 : memref<!tpu.dma_semaphore, #tpu.memory_space<semaphore_mem>>)
    %dma_wait3A = arith.constant 0 : i32
    %dma_wait3A_6 = tpu.memref_slice %arg2[%mul3A_2, %dma_wait3A] : memref<128x16xf32, #tpu.memory_space<hbm>> -> memref<8x16xf32, #tpu.memory_space<hbm>>
    %dma_wait3A_7 = arith.constant 0 : i32
    %dma_wait3A_8 = tpu.memref_slice %arg2[%mul3A_2, %dma_wait3A_7] : memref<128x16xf32, #tpu.memory_space<hbm>> -> memref<8x16xf32, #tpu.memory_space<hbm>>
    tpu.wait_dma2 semaphore(%arg6 : memref<!tpu.dma_semaphore, #tpu.memory_space<semaphore_mem>>) src(%dma_wait3A_8 : memref<8x16xf32, #tpu.memory_space<hbm>>) dst(%arg4 : memref<8x16xf32, #tpu.memory_space<vmem>>)
    %iota3A = tpu.iota {dimensions = array<i32: 0>} : vector<16xi32>
    %get3A = arith.constant 0 : i32
    %get3A_9 = arith.index_cast %get3A : i32 to index
    %get3A_10 = arith.constant 0 : index
    %get3A_11 = tpu.vector_load %arg4[%get3A_9, %get3A_10] {strides = array<i32>} : memref<8x16xf32, #tpu.memory_space<vmem>>, vector<16xf32>,
    %reduce_max3A = arith.constant true
    %reduce_max3A_12 = vector.broadcast %reduce_max3A : i1 to vector<16xi1>
    %reduce_max3A_13 = tpu.scan <max>, %get3A_11 masked %reduce_max3A_12 : vector<16xf32>, vector<16xi1> -> vector<16xf32>
    %reduce_max3A_14 = vector.extract %reduce_max3A_13[15] : f32 from vector<16xf32>
    %sub3A = vector.broadcast %reduce_max3A_14 : f32 to vector<16xf32>
    %sub3A_15 = arith.subf %get3A_11, %sub3A : vector<16xf32>
    %exp3A = math.exp %sub3A_15 : vector<16xf32>
    %reduce_sum3A = arith.constant true
    %reduce_sum3A_16 = vector.broadcast %reduce_sum3A : i1 to vector<16xi1>
    %reduce_sum3A_17 = tpu.scan <sum>, %exp3A masked %reduce_sum3A_16 : vector<16xf32>, vector<16xi1> -> vector<16xf32>
    %reduce_sum3A_18 = vector.extract %reduce_sum3A_17[15] : f32 from vector<16xf32>
    %div3A = vector.broadcast %reduce_sum3A_18 : f32 to vector<16xf32>
    %div3A_19 = arith.divf %exp3A, %div3A : vector<16xf32>
    %reduce_max3A_20 = arith.constant true
    %reduce_max3A_21 = vector.broadcast %reduce_max3A_20 : i1 to vector<16xi1>
    %reduce_max3A_22 = tpu.scan <max>, %div3A_19 masked %reduce_max3A_21 : vector<16xf32>, vector<16xi1> -> vector<16xf32>
    %reduce_max3A_23 = vector.extract %reduce_max3A_22[15] : f32 from vector<16xf32>
    %ge3A = vector.broadcast %reduce_max3A_23 : f32 to vector<16xf32>
    %ge3A_24 = arith.cmpf oge, %div3A_19, %ge3A : vector<16xf32>
    %jit3A = arith.constant 16 : i32
    %broadcast_in_dim3A = vector.broadcast %jit3A : i32 to vector<16xi32>
    %select_n3A = arith.select %ge3A_24, %iota3A, %broadcast_in_dim3A : vector<16xi1>, vector<16xi32>
    %reduce_min3A = arith.constant true
    %reduce_min3A_25 = vector.broadcast %reduce_min3A : i1 to vector<16xi1>
    %reduce_min3A_26 = arith.constant -2147483648 : i32
    %reduce_min3A_27 = vector.broadcast %reduce_min3A_26 : i32 to vector<16xi32>
    %reduce_min3A_28 = arith.xori %select_n3A, %reduce_min3A_27 : vector<16xi32>
    %reduce_min3A_29 = tpu.scan <min>, %reduce_min3A_28 masked %reduce_min3A_25 : vector<16xi32>, vector<16xi1> -> vector<16xi32>
    %reduce_min3A_30 = arith.xori %reduce_min3A_29, %reduce_min3A_27 : vector<16xi32>
    %reduce_min3A_31 = vector.extract %reduce_min3A_30[15] : i32 from vector<16xi32>
    %eq3A = vector.broadcast %reduce_min3A_31 : i32 to vector<16xi32>
    %eq3A_32 = arith.cmpi eq, %iota3A, %eq3A : vector<16xi32>
    %jit3A_33 = arith.constant 0.000000e+00 : f32
    %broadcast_in_dim3A_34 = vector.broadcast %reduce_max3A_23 : f32 to vector<16xf32>
    %broadcast_in_dim3A_35 = vector.broadcast %jit3A_33 : f32 to vector<16xf32>
    %select_n3A_36 = arith.select %eq3A_32, %broadcast_in_dim3A_34, %broadcast_in_dim3A_35 : vector<16xi1>, vector<16xf32>
    %swap3A = arith.constant 0 : i32
    %swap3A_37 = arith.index_cast %swap3A : i32 to index
    %swap3A_38 = arith.constant 0 : index
    %swap3A_39 = tpu.vector_load %arg5[%swap3A_37, %swap3A_38] {strides = array<i32>} : memref<8x16xf32, #tpu.memory_space<vmem>>, vector<16xf32>,
    tpu.vector_store %arg5[%swap3A_37, %swap3A_38], %select_n3A_36 {strides = array<i32>} : memref<8x16xf32, #tpu.memory_space<vmem>>, vector<16xf32>,
    %get3A_40 = arith.constant 1 : i32
    %get3A_41 = arith.index_cast %get3A_40 : i32 to index
    %get3A_42 = arith.constant 0 : index
    %get3A_43 = tpu.vector_load %arg4[%get3A_41, %get3A_42] {strides = array<i32>} : memref<8x16xf32, #tpu.memory_space<vmem>>, vector<16xf32>,
    %reduce_max3A_44 = arith.constant true
    %reduce_max3A_45 = vector.broadcast %reduce_max3A_44 : i1 to vector<16xi1>
    %reduce_max3A_46 = tpu.scan <max>, %get3A_43 masked %reduce_max3A_45 : vector<16xf32>, vector<16xi1> -> vector<16xf32>
    %reduce_max3A_47 = vector.extract %reduce_max3A_46[15] : f32 from vector<16xf32>
    %sub3A_48 = vector.broadcast %reduce_max3A_47 : f32 to vector<16xf32>
    %sub3A_49 = arith.subf %get3A_43, %sub3A_48 : vector<16xf32>
    %exp3A_50 = math.exp %sub3A_49 : vector<16xf32>
    %reduce_sum3A_51 = arith.constant true
    %reduce_sum3A_52 = vector.broadcast %reduce_sum3A_51 : i1 to vector<16xi1>
    %reduce_sum3A_53 = tpu.scan <sum>, %exp3A_50 masked %reduce_sum3A_52 : vector<16xf32>, vector<16xi1> -> vector<16xf32>
    %reduce_sum3A_54 = vector.extract %reduce_sum3A_53[15] : f32 from vector<16xf32>
    %div3A_55 = vector.broadcast %reduce_sum3A_54 : f32 to vector<16xf32>
    %div3A_56 = arith.divf %exp3A_50, %div3A_55 : vector<16xf32>
    %reduce_max3A_57 = arith.constant true
    %reduce_max3A_58 = vector.broadcast %reduce_max3A_57 : i1 to vector<16xi1>
    %reduce_max3A_59 = tpu.scan <max>, %div3A_56 masked %reduce_max3A_58 : vector<16xf32>, vector<16xi1> -> vector<16xf32>
    %reduce_max3A_60 = vector.extract %reduce_max3A_59[15] : f32 from vector<16xf32>
    %ge3A_61 = vector.broadcast %reduce_max3A_60 : f32 to vector<16xf32>
    %ge3A_62 = arith.cmpf oge, %div3A_56, %ge3A_61 : vector<16xf32>
    %jit3A_63 = arith.constant 16 : i32
    %broadcast_in_dim3A_64 = vector.broadcast %jit3A_63 : i32 to vector<16xi32>
    %select_n3A_65 = arith.select %ge3A_62, %iota3A, %broadcast_in_dim3A_64 : vector<16xi1>, vector<16xi32>
    %reduce_min3A_66 = arith.constant true
    %reduce_min3A_67 = vector.broadcast %reduce_min3A_66 : i1 to vector<16xi1>
    %reduce_min3A_68 = arith.constant -2147483648 : i32
    %reduce_min3A_69 = vector.broadcast %reduce_min3A_68 : i32 to vector<16xi32>
    %reduce_min3A_70 = arith.xori %select_n3A_65, %reduce_min3A_69 : vector<16xi32>
    %reduce_min3A_71 = tpu.scan <min>, %reduce_min3A_70 masked %reduce_min3A_67 : vector<16xi32>, vector<16xi1> -> vector<16xi32>
    %reduce_min3A_72 = arith.xori %reduce_min3A_71, %reduce_min3A_69 : vector<16xi32>
    %reduce_min3A_73 = vector.extract %reduce_min3A_72[15] : i32 from vector<16xi32>
    %eq3A_74 = vector.broadcast %reduce_min3A_73 : i32 to vector<16xi32>
    %eq3A_75 = arith.cmpi eq, %iota3A, %eq3A_74 : vector<16xi32>
    %jit3A_76 = arith.constant 0.000000e+00 : f32
    %broadcast_in_dim3A_77 = vector.broadcast %reduce_max3A_60 : f32 to vector<16xf32>
    %broadcast_in_dim3A_78 = vector.broadcast %jit3A_76 : f32 to vector<16xf32>
    %select_n3A_79 = arith.select %eq3A_75, %broadcast_in_dim3A_77, %broadcast_in_dim3A_78 : vector<16xi1>, vector<16xf32>
    %swap3A_80 = arith.constant 1 : i32
    %swap3A_81 = arith.index_cast %swap3A_80 : i32 to index
    %swap3A_82 = arith.constant 0 : index
    %swap3A_83 = tpu.vector_load %arg5[%swap3A_81, %swap3A_82] {strides = array<i32>} : memref<8x16xf32, #tpu.memory_space<vmem>>, vector<16xf32>,
    tpu.vector_store %arg5[%swap3A_81, %swap3A_82], %select_n3A_79 {strides = array<i32>} : memref<8x16xf32, #tpu.memory_space<vmem>>, vector<16xf32>,
    %get3A_84 = arith.constant 2 : i32
    %get3A_85 = arith.index_cast %get3A_84 : i32 to index
    %get3A_86 = arith.constant 0 : index
    %get3A_87 = tpu.vector_load %arg4[%get3A_85, %get3A_86] {strides = array<i32>} : memref<8x16xf32, #tpu.memory_space<vmem>>, vector<16xf32>,
    %reduce_max3A_88 = arith.constant true
    %reduce_max3A_89 = vector.broadcast %reduce_max3A_88 : i1 to vector<16xi1>
    %reduce_max3A_90 = tpu.scan <max>, %get3A_87 masked %reduce_max3A_89 : vector<16xf32>, vector<16xi1> -> vector<16xf32>
    %reduce_max3A_91 = vector.extract %reduce_max3A_90[15] : f32 from vector<16xf32>
    %sub3A_92 = vector.broadcast %reduce_max3A_91 : f32 to vector<16xf32>
    %sub3A_93 = arith.subf %get3A_87, %sub3A_92 : vector<16xf32>
    %exp3A_94 = math.exp %sub3A_93 : vector<16xf32>
    %reduce_sum3A_95 = arith.constant true
    %reduce_sum3A_96 = vector.broadcast %reduce_sum3A_95 : i1 to vector<16xi1>
    %reduce_sum3A_97 = tpu.scan <sum>, %exp3A_94 masked %reduce_sum3A_96 : vector<16xf32>, vector<16xi1> -> vector<16xf32>
    %reduce_sum3A_98 = vector.extract %reduce_sum3A_97[15] : f32 from vector<16xf32>
    %div3A_99 = vector.broadcast %reduce_sum3A_98 : f32 to vector<16xf32>
    %div3A_100 = arith.divf %exp3A_94, %div3A_99 : vector<16xf32>
    %reduce_max3A_101 = arith.constant true
    %reduce_max3A_102 = vector.broadcast %reduce_max3A_101 : i1 to vector<16xi1>
    %reduce_max3A_103 = tpu.scan <max>, %div3A_100 masked %reduce_max3A_102 : vector<16xf32>, vector<16xi1> -> vector<16xf32>
    %reduce_max3A_104 = vector.extract %reduce_max3A_103[15] : f32 from vector<16xf32>
    %ge3A_105 = vector.broadcast %reduce_max3A_104 : f32 to vector<16xf32>
    %ge3A_106 = arith.cmpf oge, %div3A_100, %ge3A_105 : vector<16xf32>
    %jit3A_107 = arith.constant 16 : i32
    %broadcast_in_dim3A_108 = vector.broadcast %jit3A_107 : i32 to vector<16xi32>
    %select_n3A_109 = arith.select %ge3A_106, %iota3A, %broadcast_in_dim3A_108 : vector<16xi1>, vector<16xi32>
    %reduce_min3A_110 = arith.constant true
    %reduce_min3A_111 = vector.broadcast %reduce_min3A_110 : i1 to vector<16xi1>
    %reduce_min3A_112 = arith.constant -2147483648 : i32
    %reduce_min3A_113 = vector.broadcast %reduce_min3A_112 : i32 to vector<16xi32>
    %reduce_min3A_114 = arith.xori %select_n3A_109, %reduce_min3A_113 : vector<16xi32>
    %reduce_min3A_115 = tpu.scan <min>, %reduce_min3A_114 masked %reduce_min3A_111 : vector<16xi32>, vector<16xi1> -> vector<16xi32>
    %reduce_min3A_116 = arith.xori %reduce_min3A_115, %reduce_min3A_113 : vector<16xi32>
    %reduce_min3A_117 = vector.extract %reduce_min3A_116[15] : i32 from vector<16xi32>
    %eq3A_118 = vector.broadcast %reduce_min3A_117 : i32 to vector<16xi32>
    %eq3A_119 = arith.cmpi eq, %iota3A, %eq3A_118 : vector<16xi32>
    %jit3A_120 = arith.constant 0.000000e+00 : f32
    %broadcast_in_dim3A_121 = vector.broadcast %reduce_max3A_104 : f32 to vector<16xf32>
    %broadcast_in_dim3A_122 = vector.broadcast %jit3A_120 : f32 to vector<16xf32>
    %select_n3A_123 = arith.select %eq3A_119, %broadcast_in_dim3A_121, %broadcast_in_dim3A_122 : vector<16xi1>, vector<16xf32>
    %swap3A_124 = arith.constant 2 : i32
    %swap3A_125 = arith.index_cast %swap3A_124 : i32 to index
    %swap3A_126 = arith.constant 0 : index
    %swap3A_127 = tpu.vector_load %arg5[%swap3A_125, %swap3A_126] {strides = array<i32>} : memref<8x16xf32, #tpu.memory_space<vmem>>, vector<16xf32>,
    tpu.vector_store %arg5[%swap3A_125, %swap3A_126], %select_n3A_123 {strides = array<i32>} : memref<8x16xf32, #tpu.memory_space<vmem>>, vector<16xf32>,
    %get3A_128 = arith.constant 3 : i32
    %get3A_129 = arith.index_cast %get3A_128 : i32 to index
    %get3A_130 = arith.constant 0 : index
    %get3A_131 = tpu.vector_load %arg4[%get3A_129, %get3A_130] {strides = array<i32>} : memref<8x16xf32, #tpu.memory_space<vmem>>, vector<16xf32>,
    %reduce_max3A_132 = arith.constant true
    %reduce_max3A_133 = vector.broadcast %reduce_max3A_132 : i1 to vector<16xi1>
    %reduce_max3A_134 = tpu.scan <max>, %get3A_131 masked %reduce_max3A_133 : vector<16xf32>, vector<16xi1> -> vector<16xf32>
    %reduce_max3A_135 = vector.extract %reduce_max3A_134[15] : f32 from vector<16xf32>
    %sub3A_136 = vector.broadcast %reduce_max3A_135 : f32 to vector<16xf32>
    %sub3A_137 = arith.subf %get3A_131, %sub3A_136 : vector<16xf32>
    %exp3A_138 = math.exp %sub3A_137 : vector<16xf32>
    %reduce_sum3A_139 = arith.constant true
    %reduce_sum3A_140 = vector.broadcast %reduce_sum3A_139 : i1 to vector<16xi1>
    %reduce_sum3A_141 = tpu.scan <sum>, %exp3A_138 masked %reduce_sum3A_140 : vector<16xf32>, vector<16xi1> -> vector<16xf32>
    %reduce_sum3A_142 = vector.extract %reduce_sum3A_141[15] : f32 from vector<16xf32>
    %div3A_143 = vector.broadcast %reduce_sum3A_142 : f32 to vector<16xf32>
    %div3A_144 = arith.divf %exp3A_138, %div3A_143 : vector<16xf32>
    %reduce_max3A_145 = arith.constant true
    %reduce_max3A_146 = vector.broadcast %reduce_max3A_145 : i1 to vector<16xi1>
    %reduce_max3A_147 = tpu.scan <max>, %div3A_144 masked %reduce_max3A_146 : vector<16xf32>, vector<16xi1> -> vector<16xf32>
    %reduce_max3A_148 = vector.extract %reduce_max3A_147[15] : f32 from vector<16xf32>
    %ge3A_149 = vector.broadcast %reduce_max3A_148 : f32 to vector<16xf32>
    %ge3A_150 = arith.cmpf oge, %div3A_144, %ge3A_149 : vector<16xf32>
    %jit3A_151 = arith.constant 16 : i32
    %broadcast_in_dim3A_152 = vector.broadcast %jit3A_151 : i32 to vector<16xi32>
    %select_n3A_153 = arith.select %ge3A_150, %iota3A, %broadcast_in_dim3A_152 : vector<16xi1>, vector<16xi32>
    %reduce_min3A_154 = arith.constant true
    %reduce_min3A_155 = vector.broadcast %reduce_min3A_154 : i1 to vector<16xi1>
    %reduce_min3A_156 = arith.constant -2147483648 : i32
    %reduce_min3A_157 = vector.broadcast %reduce_min3A_156 : i32 to vector<16xi32>
    %reduce_min3A_158 = arith.xori %select_n3A_153, %reduce_min3A_157 : vector<16xi32>
    %reduce_min3A_159 = tpu.scan <min>, %reduce_min3A_158 masked %reduce_min3A_155 : vector<16xi32>, vector<16xi1> -> vector<16xi32>
    %reduce_min3A_160 = arith.xori %reduce_min3A_159, %reduce_min3A_157 : vector<16xi32>
    %reduce_min3A_161 = vector.extract %reduce_min3A_160[15] : i32 from vector<16xi32>
    %eq3A_162 = vector.broadcast %reduce_min3A_161 : i32 to vector<16xi32>
    %eq3A_163 = arith.cmpi eq, %iota3A, %eq3A_162 : vector<16xi32>
    %jit3A_164 = arith.constant 0.000000e+00 : f32
    %broadcast_in_dim3A_165 = vector.broadcast %reduce_max3A_148 : f32 to vector<16xf32>
    %broadcast_in_dim3A_166 = vector.broadcast %jit3A_164 : f32 to vector<16xf32>
    %select_n3A_167 = arith.select %eq3A_163, %broadcast_in_dim3A_165, %broadcast_in_dim3A_166 : vector<16xi1>, vector<16xf32>
    %swap3A_168 = arith.constant 3 : i32
    %swap3A_169 = arith.index_cast %swap3A_168 : i32 to index
    %swap3A_170 = arith.constant 0 : index
    %swap3A_171 = tpu.vector_load %arg5[%swap3A_169, %swap3A_170] {strides = array<i32>} : memref<8x16xf32, #tpu.memory_space<vmem>>, vector<16xf32>,
    tpu.vector_store %arg5[%swap3A_169, %swap3A_170], %select_n3A_167 {strides = array<i32>} : memref<8x16xf32, #tpu.memory_space<vmem>>, vector<16xf32>,
    %get3A_172 = arith.constant 4 : i32
    %get3A_173 = arith.index_cast %get3A_172 : i32 to index
    %get3A_174 = arith.constant 0 : index
    %get3A_175 = tpu.vector_load %arg4[%get3A_173, %get3A_174] {strides = array<i32>} : memref<8x16xf32, #tpu.memory_space<vmem>>, vector<16xf32>,
    %reduce_max3A_176 = arith.constant true
    %reduce_max3A_177 = vector.broadcast %reduce_max3A_176 : i1 to vector<16xi1>
    %reduce_max3A_178 = tpu.scan <max>, %get3A_175 masked %reduce_max3A_177 : vector<16xf32>, vector<16xi1> -> vector<16xf32>
    %reduce_max3A_179 = vector.extract %reduce_max3A_178[15] : f32 from vector<16xf32>
    %sub3A_180 = vector.broadcast %reduce_max3A_179 : f32 to vector<16xf32>
    %sub3A_181 = arith.subf %get3A_175, %sub3A_180 : vector<16xf32>
    %exp3A_182 = math.exp %sub3A_181 : vector<16xf32>
    %reduce_sum3A_183 = arith.constant true
    %reduce_sum3A_184 = vector.broadcast %reduce_sum3A_183 : i1 to vector<16xi1>
    %reduce_sum3A_185 = tpu.scan <sum>, %exp3A_182 masked %reduce_sum3A_184 : vector<16xf32>, vector<16xi1> -> vector<16xf32>
    %reduce_sum3A_186 = vector.extract %reduce_sum3A_185[15] : f32 from vector<16xf32>
    %div3A_187 = vector.broadcast %reduce_sum3A_186 : f32 to vector<16xf32>
    %div3A_188 = arith.divf %exp3A_182, %div3A_187 : vector<16xf32>
    %reduce_max3A_189 = arith.constant true
    %reduce_max3A_190 = vector.broadcast %reduce_max3A_189 : i1 to vector<16xi1>
    %reduce_max3A_191 = tpu.scan <max>, %div3A_188 masked %reduce_max3A_190 : vector<16xf32>, vector<16xi1> -> vector<16xf32>
    %reduce_max3A_192 = vector.extract %reduce_max3A_191[15] : f32 from vector<16xf32>
    %ge3A_193 = vector.broadcast %reduce_max3A_192 : f32 to vector<16xf32>
    %ge3A_194 = arith.cmpf oge, %div3A_188, %ge3A_193 : vector<16xf32>
    %jit3A_195 = arith.constant 16 : i32
    %broadcast_in_dim3A_196 = vector.broadcast %jit3A_195 : i32 to vector<16xi32>
    %select_n3A_197 = arith.select %ge3A_194, %iota3A, %broadcast_in_dim3A_196 : vector<16xi1>, vector<16xi32>
    %reduce_min3A_198 = arith.constant true
    %reduce_min3A_199 = vector.broadcast %reduce_min3A_198 : i1 to vector<16xi1>
    %reduce_min3A_200 = arith.constant -2147483648 : i32
    %reduce_min3A_201 = vector.broadcast %reduce_min3A_200 : i32 to vector<16xi32>
    %reduce_min3A_202 = arith.xori %select_n3A_197, %reduce_min3A_201 : vector<16xi32>
    %reduce_min3A_203 = tpu.scan <min>, %reduce_min3A_202 masked %reduce_min3A_199 : vector<16xi32>, vector<16xi1> -> vector<16xi32>
    %reduce_min3A_204 = arith.xori %reduce_min3A_203, %reduce_min3A_201 : vector<16xi32>
    %reduce_min3A_205 = vector.extract %reduce_min3A_204[15] : i32 from vector<16xi32>
    %eq3A_206 = vector.broadcast %reduce_min3A_205 : i32 to vector<16xi32>
    %eq3A_207 = arith.cmpi eq, %iota3A, %eq3A_206 : vector<16xi32>
    %jit3A_208 = arith.constant 0.000000e+00 : f32
    %broadcast_in_dim3A_209 = vector.broadcast %reduce_max3A_192 : f32 to vector<16xf32>
    %broadcast_in_dim3A_210 = vector.broadcast %jit3A_208 : f32 to vector<16xf32>
    %select_n3A_211 = arith.select %eq3A_207, %broadcast_in_dim3A_209, %broadcast_in_dim3A_210 : vector<16xi1>, vector<16xf32>
    %swap3A_212 = arith.constant 4 : i32
    %swap3A_213 = arith.index_cast %swap3A_212 : i32 to index
    %swap3A_214 = arith.constant 0 : index
    %swap3A_215 = tpu.vector_load %arg5[%swap3A_213, %swap3A_214] {strides = array<i32>} : memref<8x16xf32, #tpu.memory_space<vmem>>, vector<16xf32>,
    tpu.vector_store %arg5[%swap3A_213, %swap3A_214], %select_n3A_211 {strides = array<i32>} : memref<8x16xf32, #tpu.memory_space<vmem>>, vector<16xf32>,
    %get3A_216 = arith.constant 5 : i32
    %get3A_217 = arith.index_cast %get3A_216 : i32 to index
    %get3A_218 = arith.constant 0 : index
    %get3A_219 = tpu.vector_load %arg4[%get3A_217, %get3A_218] {strides = array<i32>} : memref<8x16xf32, #tpu.memory_space<vmem>>, vector<16xf32>,
    %reduce_max3A_220 = arith.constant true
    %reduce_max3A_221 = vector.broadcast %reduce_max3A_220 : i1 to vector<16xi1>
    %reduce_max3A_222 = tpu.scan <max>, %get3A_219 masked %reduce_max3A_221 : vector<16xf32>, vector<16xi1> -> vector<16xf32>
    %reduce_max3A_223 = vector.extract %reduce_max3A_222[15] : f32 from vector<16xf32>
    %sub3A_224 = vector.broadcast %reduce_max3A_223 : f32 to vector<16xf32>
    %sub3A_225 = arith.subf %get3A_219, %sub3A_224 : vector<16xf32>
    %exp3A_226 = math.exp %sub3A_225 : vector<16xf32>
    %reduce_sum3A_227 = arith.constant true
    %reduce_sum3A_228 = vector.broadcast %reduce_sum3A_227 : i1 to vector<16xi1>
    %reduce_sum3A_229 = tpu.scan <sum>, %exp3A_226 masked %reduce_sum3A_228 : vector<16xf32>, vector<16xi1> -> vector<16xf32>
    %reduce_sum3A_230 = vector.extract %reduce_sum3A_229[15] : f32 from vector<16xf32>
    %div3A_231 = vector.broadcast %reduce_sum3A_230 : f32 to vector<16xf32>
    %div3A_232 = arith.divf %exp3A_226, %div3A_231 : vector<16xf32>
    %reduce_max3A_233 = arith.constant true
    %reduce_max3A_234 = vector.broadcast %reduce_max3A_233 : i1 to vector<16xi1>
    %reduce_max3A_235 = tpu.scan <max>, %div3A_232 masked %reduce_max3A_234 : vector<16xf32>, vector<16xi1> -> vector<16xf32>
    %reduce_max3A_236 = vector.extract %reduce_max3A_235[15] : f32 from vector<16xf32>
    %ge3A_237 = vector.broadcast %reduce_max3A_236 : f32 to vector<16xf32>
    %ge3A_238 = arith.cmpf oge, %div3A_232, %ge3A_237 : vector<16xf32>
    %jit3A_239 = arith.constant 16 : i32
    %broadcast_in_dim3A_240 = vector.broadcast %jit3A_239 : i32 to vector<16xi32>
    %select_n3A_241 = arith.select %ge3A_238, %iota3A, %broadcast_in_dim3A_240 : vector<16xi1>, vector<16xi32>
    %reduce_min3A_242 = arith.constant true
    %reduce_min3A_243 = vector.broadcast %reduce_min3A_242 : i1 to vector<16xi1>
    %reduce_min3A_244 = arith.constant -2147483648 : i32
    %reduce_min3A_245 = vector.broadcast %reduce_min3A_244 : i32 to vector<16xi32>
    %reduce_min3A_246 = arith.xori %select_n3A_241, %reduce_min3A_245 : vector<16xi32>
    %reduce_min3A_247 = tpu.scan <min>, %reduce_min3A_246 masked %reduce_min3A_243 : vector<16xi32>, vector<16xi1> -> vector<16xi32>
    %reduce_min3A_248 = arith.xori %reduce_min3A_247, %reduce_min3A_245 : vector<16xi32>
    %reduce_min3A_249 = vector.extract %reduce_min3A_248[15] : i32 from vector<16xi32>
    %eq3A_250 = vector.broadcast %reduce_min3A_249 : i32 to vector<16xi32>
    %eq3A_251 = arith.cmpi eq, %iota3A, %eq3A_250 : vector<16xi32>
    %jit3A_252 = arith.constant 0.000000e+00 : f32
    %broadcast_in_dim3A_253 = vector.broadcast %reduce_max3A_236 : f32 to vector<16xf32>
    %broadcast_in_dim3A_254 = vector.broadcast %jit3A_252 : f32 to vector<16xf32>
    %select_n3A_255 = arith.select %eq3A_251, %broadcast_in_dim3A_253, %broadcast_in_dim3A_254 : vector<16xi1>, vector<16xf32>
    %swap3A_256 = arith.constant 5 : i32
    %swap3A_257 = arith.index_cast %swap3A_256 : i32 to index
    %swap3A_258 = arith.constant 0 : index
    %swap3A_259 = tpu.vector_load %arg5[%swap3A_257, %swap3A_258] {strides = array<i32>} : memref<8x16xf32, #tpu.memory_space<vmem>>, vector<16xf32>,
    tpu.vector_store %arg5[%swap3A_257, %swap3A_258], %select_n3A_255 {strides = array<i32>} : memref<8x16xf32, #tpu.memory_space<vmem>>, vector<16xf32>,
    %get3A_260 = arith.constant 6 : i32
    %get3A_261 = arith.index_cast %get3A_260 : i32 to index
    %get3A_262 = arith.constant 0 : index
    %get3A_263 = tpu.vector_load %arg4[%get3A_261, %get3A_262] {strides = array<i32>} : memref<8x16xf32, #tpu.memory_space<vmem>>, vector<16xf32>,
    %reduce_max3A_264 = arith.constant true
    %reduce_max3A_265 = vector.broadcast %reduce_max3A_264 : i1 to vector<16xi1>
    %reduce_max3A_266 = tpu.scan <max>, %get3A_263 masked %reduce_max3A_265 : vector<16xf32>, vector<16xi1> -> vector<16xf32>
    %reduce_max3A_267 = vector.extract %reduce_max3A_266[15] : f32 from vector<16xf32>
    %sub3A_268 = vector.broadcast %reduce_max3A_267 : f32 to vector<16xf32>
    %sub3A_269 = arith.subf %get3A_263, %sub3A_268 : vector<16xf32>
    %exp3A_270 = math.exp %sub3A_269 : vector<16xf32>
    %reduce_sum3A_271 = arith.constant true
    %reduce_sum3A_272 = vector.broadcast %reduce_sum3A_271 : i1 to vector<16xi1>
    %reduce_sum3A_273 = tpu.scan <sum>, %exp3A_270 masked %reduce_sum3A_272 : vector<16xf32>, vector<16xi1> -> vector<16xf32>
    %reduce_sum3A_274 = vector.extract %reduce_sum3A_273[15] : f32 from vector<16xf32>
    %div3A_275 = vector.broadcast %reduce_sum3A_274 : f32 to vector<16xf32>
    %div3A_276 = arith.divf %exp3A_270, %div3A_275 : vector<16xf32>
    %reduce_max3A_277 = arith.constant true
    %reduce_max3A_278 = vector.broadcast %reduce_max3A_277 : i1 to vector<16xi1>
    %reduce_max3A_279 = tpu.scan <max>, %div3A_276 masked %reduce_max3A_278 : vector<16xf32>, vector<16xi1> -> vector<16xf32>
    %reduce_max3A_280 = vector.extract %reduce_max3A_279[15] : f32 from vector<16xf32>
    %ge3A_281 = vector.broadcast %reduce_max3A_280 : f32 to vector<16xf32>
    %ge3A_282 = arith.cmpf oge, %div3A_276, %ge3A_281 : vector<16xf32>
    %jit3A_283 = arith.constant 16 : i32
    %broadcast_in_dim3A_284 = vector.broadcast %jit3A_283 : i32 to vector<16xi32>
    %select_n3A_285 = arith.select %ge3A_282, %iota3A, %broadcast_in_dim3A_284 : vector<16xi1>, vector<16xi32>
    %reduce_min3A_286 = arith.constant true
    %reduce_min3A_287 = vector.broadcast %reduce_min3A_286 : i1 to vector<16xi1>
    %reduce_min3A_288 = arith.constant -2147483648 : i32
    %reduce_min3A_289 = vector.broadcast %reduce_min3A_288 : i32 to vector<16xi32>
    %reduce_min3A_290 = arith.xori %select_n3A_285, %reduce_min3A_289 : vector<16xi32>
    %reduce_min3A_291 = tpu.scan <min>, %reduce_min3A_290 masked %reduce_min3A_287 : vector<16xi32>, vector<16xi1> -> vector<16xi32>
    %reduce_min3A_292 = arith.xori %reduce_min3A_291, %reduce_min3A_289 : vector<16xi32>
    %reduce_min3A_293 = vector.extract %reduce_min3A_292[15] : i32 from vector<16xi32>
    %eq3A_294 = vector.broadcast %reduce_min3A_293 : i32 to vector<16xi32>
    %eq3A_295 = arith.cmpi eq, %iota3A, %eq3A_294 : vector<16xi32>
    %jit3A_296 = arith.constant 0.000000e+00 : f32
    %broadcast_in_dim3A_297 = vector.broadcast %reduce_max3A_280 : f32 to vector<16xf32>
    %broadcast_in_dim3A_298 = vector.broadcast %jit3A_296 : f32 to vector<16xf32>
    %select_n3A_299 = arith.select %eq3A_295, %broadcast_in_dim3A_297, %broadcast_in_dim3A_298 : vector<16xi1>, vector<16xf32>
    %swap3A_300 = arith.constant 6 : i32
    %swap3A_301 = arith.index_cast %swap3A_300 : i32 to index
    %swap3A_302 = arith.constant 0 : index
    %swap3A_303 = tpu.vector_load %arg5[%swap3A_301, %swap3A_302] {strides = array<i32>} : memref<8x16xf32, #tpu.memory_space<vmem>>, vector<16xf32>,
    tpu.vector_store %arg5[%swap3A_301, %swap3A_302], %select_n3A_299 {strides = array<i32>} : memref<8x16xf32, #tpu.memory_space<vmem>>, vector<16xf32>,
    %get3A_304 = arith.constant 7 : i32
    %get3A_305 = arith.index_cast %get3A_304 : i32 to index
    %get3A_306 = arith.constant 0 : index
    %get3A_307 = tpu.vector_load %arg4[%get3A_305, %get3A_306] {strides = array<i32>} : memref<8x16xf32, #tpu.memory_space<vmem>>, vector<16xf32>,
    %reduce_max3A_308 = arith.constant true
    %reduce_max3A_309 = vector.broadcast %reduce_max3A_308 : i1 to vector<16xi1>
    %reduce_max3A_310 = tpu.scan <max>, %get3A_307 masked %reduce_max3A_309 : vector<16xf32>, vector<16xi1> -> vector<16xf32>
    %reduce_max3A_311 = vector.extract %reduce_max3A_310[15] : f32 from vector<16xf32>
    %sub3A_312 = vector.broadcast %reduce_max3A_311 : f32 to vector<16xf32>
    %sub3A_313 = arith.subf %get3A_307, %sub3A_312 : vector<16xf32>
    %exp3A_314 = math.exp %sub3A_313 : vector<16xf32>
    %reduce_sum3A_315 = arith.constant true
    %reduce_sum3A_316 = vector.broadcast %reduce_sum3A_315 : i1 to vector<16xi1>
    %reduce_sum3A_317 = tpu.scan <sum>, %exp3A_314 masked %reduce_sum3A_316 : vector<16xf32>, vector<16xi1> -> vector<16xf32>
    %reduce_sum3A_318 = vector.extract %reduce_sum3A_317[15] : f32 from vector<16xf32>
    %div3A_319 = vector.broadcast %reduce_sum3A_318 : f32 to vector<16xf32>
    %div3A_320 = arith.divf %exp3A_314, %div3A_319 : vector<16xf32>
    %reduce_max3A_321 = arith.constant true
    %reduce_max3A_322 = vector.broadcast %reduce_max3A_321 : i1 to vector<16xi1>
    %reduce_max3A_323 = tpu.scan <max>, %div3A_320 masked %reduce_max3A_322 : vector<16xf32>, vector<16xi1> -> vector<16xf32>
    %reduce_max3A_324 = vector.extract %reduce_max3A_323[15] : f32 from vector<16xf32>
    %ge3A_325 = vector.broadcast %reduce_max3A_324 : f32 to vector<16xf32>
    %ge3A_326 = arith.cmpf oge, %div3A_320, %ge3A_325 : vector<16xf32>
    %jit3A_327 = arith.constant 16 : i32
    %broadcast_in_dim3A_328 = vector.broadcast %jit3A_327 : i32 to vector<16xi32>
    %select_n3A_329 = arith.select %ge3A_326, %iota3A, %broadcast_in_dim3A_328 : vector<16xi1>, vector<16xi32>
    %reduce_min3A_330 = arith.constant true
    %reduce_min3A_331 = vector.broadcast %reduce_min3A_330 : i1 to vector<16xi1>
    %reduce_min3A_332 = arith.constant -2147483648 : i32
    %reduce_min3A_333 = vector.broadcast %reduce_min3A_332 : i32 to vector<16xi32>
    %reduce_min3A_334 = arith.xori %select_n3A_329, %reduce_min3A_333 : vector<16xi32>
    %reduce_min3A_335 = tpu.scan <min>, %reduce_min3A_334 masked %reduce_min3A_331 : vector<16xi32>, vector<16xi1> -> vector<16xi32>
    %reduce_min3A_336 = arith.xori %reduce_min3A_335, %reduce_min3A_333 : vector<16xi32>
    %reduce_min3A_337 = vector.extract %reduce_min3A_336[15] : i32 from vector<16xi32>
    %eq3A_338 = vector.broadcast %reduce_min3A_337 : i32 to vector<16xi32>
    %eq3A_339 = arith.cmpi eq, %iota3A, %eq3A_338 : vector<16xi32>
    %jit3A_340 = arith.constant 0.000000e+00 : f32
    %broadcast_in_dim3A_341 = vector.broadcast %reduce_max3A_324 : f32 to vector<16xf32>
    %broadcast_in_dim3A_342 = vector.broadcast %jit3A_340 : f32 to vector<16xf32>
    %select_n3A_343 = arith.select %eq3A_339, %broadcast_in_dim3A_341, %broadcast_in_dim3A_342 : vector<16xi1>, vector<16xf32>
    %swap3A_344 = arith.constant 7 : i32
    %swap3A_345 = arith.index_cast %swap3A_344 : i32 to index
    %swap3A_346 = arith.constant 0 : index
    %swap3A_347 = tpu.vector_load %arg5[%swap3A_345, %swap3A_346] {strides = array<i32>} : memref<8x16xf32, #tpu.memory_space<vmem>>, vector<16xf32>,
    tpu.vector_store %arg5[%swap3A_345, %swap3A_346], %select_n3A_343 {strides = array<i32>} : memref<8x16xf32, #tpu.memory_space<vmem>>, vector<16xf32>,
    %dma_start3A_348 = arith.constant 0 : i32
    %dma_start3A_349 = tpu.memref_slice %arg3[%mul3A_2, %dma_start3A_348] : memref<128x16xf32, #tpu.memory_space<hbm>> -> memref<8x16xf32, #tpu.memory_space<hbm>>
    %dma_start3A_350 = arith.constant 0 : i32
    %dma_start3A_351 = tpu.memref_slice %arg3[%mul3A_2, %dma_start3A_350] : memref<128x16xf32, #tpu.memory_space<hbm>> -> memref<8x16xf32, #tpu.memory_space<hbm>>
    tpu.enqueue_dma source(%arg5 : memref<8x16xf32, #tpu.memory_space<vmem>>) target(%dma_start3A_351 : memref<8x16xf32, #tpu.memory_space<hbm>>) target_semaphore(%arg6 : memref<!tpu.dma_semaphore, #tpu.memory_space<semaphore_mem>>)
    %dma_wait3A_352 = arith.constant 0 : i32
    %dma_wait3A_353 = tpu.memref_slice %arg3[%mul3A_2, %dma_wait3A_352] : memref<128x16xf32, #tpu.memory_space<hbm>> -> memref<8x16xf32, #tpu.memory_space<hbm>>
    %dma_wait3A_354 = arith.constant 0 : i32
    %dma_wait3A_355 = tpu.memref_slice %arg3[%mul3A_2, %dma_wait3A_354] : memref<128x16xf32, #tpu.memory_space<hbm>> -> memref<8x16xf32, #tpu.memory_space<hbm>>
    tpu.wait_dma2 semaphore(%arg6 : memref<!tpu.dma_semaphore, #tpu.memory_space<semaphore_mem>>) src(%arg5 : memref<8x16xf32, #tpu.memory_space<vmem>>) dst(%dma_wait3A_355 : memref<8x16xf32, #tpu.memory_space<hbm>>)
    return
  }
}

module attributes {stable_mosaic.version = 14 : i64} {
  func.func @_logits_body(%arg0: memref<128x1024xf32, #tpu.memory_space<vmem>>, %arg1: memref<16x1024xf32, #tpu.memory_space<vmem>>, %arg2: memref<128x16xf32, #tpu.memory_space<vmem>>) attributes {dimension_semantics = [], scalar_prefetch = 0 : i64, scratch_operands = 0 : i64, tpu.core_type = #tpu.core_type<tc>} {
    %get3A = arith.constant 0 : index
    %get3A_0 = arith.constant 0 : index
    %get3A_1 = vector.load %arg0[%get3A, %get3A_0] : memref<128x1024xf32, #tpu.memory_space<vmem>>, vector<128x1024xf32>
    %get3A_2 = arith.constant 0 : index
    %get3A_3 = arith.constant 0 : index
    %get3A_4 = vector.load %arg1[%get3A_2, %get3A_3] : memref<16x1024xf32, #tpu.memory_space<vmem>>, vector<16x1024xf32>
    %dot_general3A = arith.constant dense<0.000000e+00> : vector<128x16xf32>
    %dot_general3A_5 = tpu.matmul %get3A_1, %get3A_4, %dot_general3A {dimension_numbers = #tpu.dot_dimension_numbers<[1], [1], [0], [0], [0, 0, 1, 0], [], []>, transpose_lhs_hint = false} : vector<128x1024xf32>, vector<16x1024xf32>, vector<128x16xf32> -> vector<128x16xf32>
    %swap3A = arith.constant 0 : index
    %swap3A_6 = arith.constant 0 : index
    %swap3A_7 = vector.load %arg2[%swap3A, %swap3A_6] : memref<128x16xf32, #tpu.memory_space<vmem>>, vector<128x16xf32>
    tpu.vector_store %arg2[%swap3A, %swap3A_6], %dot_general3A_5 {strides = array<i32>} : memref<128x16xf32, #tpu.memory_space<vmem>>, vector<128x16xf32>,
    return
  }
}

module attributes {stable_mosaic.version = 14 : i64} {
  func.func @_moe_body(%arg0: i32, %arg1: i32, %arg2: memref<128x1024xf32, #tpu.memory_space<vmem>>, %arg3: memref<128x16xf32, #tpu.memory_space<vmem>>, %arg4: memref<1x1024x1024xf32, #tpu.memory_space<vmem>>, %arg5: memref<1x1024x1024xf32, #tpu.memory_space<vmem>>, %arg6: memref<1x1024x1024xf32, #tpu.memory_space<vmem>>, %arg7: memref<128x1024xf32, #tpu.memory_space<vmem>>) attributes {dimension_semantics = [#tpu.dimension_semantics<arbitrary>, #tpu.dimension_semantics<arbitrary>], iteration_bounds = array<i64: 16, 2>, scalar_prefetch = 0 : i64, scratch_operands = 0 : i64, tpu.core_type = #tpu.core_type<tc>, window_params = [{pipeline_mode = #tpu.pipeline_mode<synchronous>, transform_indices = @transform_0, window_bounds = array<i64: 128, 1024>}, {pipeline_mode = #tpu.pipeline_mode<synchronous>, transform_indices = @transform_1, window_bounds = array<i64: 128, 16>}, {transform_indices = @transform_2, window_bounds = array<i64: 1, 1024, 1024>}, {transform_indices = @transform_3, window_bounds = array<i64: 1, 1024, 1024>}, {transform_indices = @transform_4, window_bounds = array<i64: 1, 1024, 1024>}, {pipeline_mode = #tpu.pipeline_mode<synchronous>, transform_indices = @transform_5, window_bounds = array<i64: 128, 1024>}]} {
    %eq3A = arith.constant 0 : i32
    %eq3A_0 = arith.cmpi eq, %arg0, %eq3A : i32
    %eq3A_1 = arith.constant 0 : i32
    %eq3A_2 = arith.cmpi eq, %arg1, %eq3A_1 : i32
    %and3A = arith.andi %eq3A_0, %eq3A_2 : i1
    %convert_element_type3A = arith.extui %and3A : i1 to i32
    %cond3A = arith.constant 0 : i32
    %cond3A_3 = arith.cmpi ne, %convert_element_type3A, %cond3A : i32
    scf.if %cond3A_3 {
      %broadcast_in_dim3A_51 = arith.constant 0.000000e+00 : f32
      %broadcast_in_dim3A_52 = vector.broadcast %broadcast_in_dim3A_51 : f32 to vector<128x1024xf32>
      %swap3A_53 = arith.constant 0 : index
      %swap3A_54 = arith.constant 0 : index
      %swap3A_55 = vector.load %arg7[%swap3A_53, %swap3A_54] : memref<128x1024xf32, #tpu.memory_space<vmem>>, vector<128x1024xf32>
      tpu.vector_store %arg7[%swap3A_53, %swap3A_54], %broadcast_in_dim3A_52 {strides = array<i32>} : memref<128x1024xf32, #tpu.memory_space<vmem>>, vector<128x1024xf32>,
    } else {
    }
    %get3A = arith.constant 0 : index
    %get3A_4 = arith.constant 0 : index
    %get3A_5 = vector.load %arg2[%get3A, %get3A_4] : memref<128x1024xf32, #tpu.memory_space<vmem>>, vector<128x1024xf32>
    %convert_element_type3A_6 = arith.truncf %get3A_5 : vector<128x1024xf32> to vector<128x1024xbf16>
    %get3A_7 = arith.constant 0 : index
    %get3A_8 = arith.constant 0 : index
    %get3A_9 = arith.constant 0 : index
    %get3A_10 = vector.load %arg4[%get3A_7, %get3A_8, %get3A_9] : memref<1x1024x1024xf32, #tpu.memory_space<vmem>>, vector<1x1024x1024xf32>
    %get3A_11 = vector.shape_cast %get3A_10 : vector<1x1024x1024xf32> to vector<1024x1024xf32>
    %convert_element_type3A_12 = arith.truncf %get3A_11 : vector<1024x1024xf32> to vector<1024x1024xbf16>
    %dot_general3A = arith.constant dense<0.000000e+00> : vector<128x1024xf32>
    %dot_general3A_13 = tpu.matmul %convert_element_type3A_6, %convert_element_type3A_12, %dot_general3A {dimension_numbers = #tpu.dot_dimension_numbers<[1], [1], [0], [0], [0, 0, 1, 0], [], []>, transpose_lhs_hint = false} : vector<128x1024xbf16>, vector<1024x1024xbf16>, vector<128x1024xf32> -> vector<128x1024xf32>
    %get3A_14 = arith.constant 0 : index
    %get3A_15 = arith.constant 0 : index
    %get3A_16 = arith.constant 0 : index
    %get3A_17 = vector.load %arg5[%get3A_14, %get3A_15, %get3A_16] : memref<1x1024x1024xf32, #tpu.memory_space<vmem>>, vector<1x1024x1024xf32>
    %get3A_18 = vector.shape_cast %get3A_17 : vector<1x1024x1024xf32> to vector<1024x1024xf32>
    %convert_element_type3A_19 = arith.truncf %get3A_18 : vector<1024x1024xf32> to vector<1024x1024xbf16>
    %dot_general3A_20 = arith.constant dense<0.000000e+00> : vector<128x1024xf32>
    %dot_general3A_21 = tpu.matmul %convert_element_type3A_6, %convert_element_type3A_19, %dot_general3A_20 {dimension_numbers = #tpu.dot_dimension_numbers<[1], [1], [0], [0], [0, 0, 1, 0], [], []>, transpose_lhs_hint = false} : vector<128x1024xbf16>, vector<1024x1024xbf16>, vector<128x1024xf32> -> vector<128x1024xf32>
    %logistic3A = arith.negf %dot_general3A_13 : vector<128x1024xf32>
    %logistic3A_22 = math.exp %logistic3A : vector<128x1024xf32>
    %logistic3A_23 = arith.constant 1.000000e+00 : f32
    %logistic3A_24 = vector.broadcast %logistic3A_23 : f32 to vector<128x1024xf32>
    %logistic3A_25 = arith.addf %logistic3A_24, %logistic3A_22 : vector<128x1024xf32>
    %logistic3A_26 = arith.divf %logistic3A_24, %logistic3A_25 : vector<128x1024xf32>
    %mul3A = arith.mulf %dot_general3A_13, %logistic3A_26 : vector<128x1024xf32>
    %mul3A_27 = arith.mulf %mul3A, %dot_general3A_21 : vector<128x1024xf32>
    %iota3A = tpu.iota {dimensions = array<i32: 1>} : vector<128x16xi32>
    %eq3A_28 = vector.broadcast %arg0 : i32 to vector<128x16xi32>
    %eq3A_29 = arith.cmpi eq, %iota3A, %eq3A_28 : vector<128x16xi32>
    %get3A_30 = arith.constant 0 : index
    %get3A_31 = arith.constant 0 : index
    %get3A_32 = vector.load %arg3[%get3A_30, %get3A_31] : memref<128x16xf32, #tpu.memory_space<vmem>>, vector<128x16xf32>
    %jit3A = arith.constant 0.000000e+00 : f32
    %broadcast_in_dim3A = vector.broadcast %jit3A : f32 to vector<128x16xf32>
    %select_n3A = arith.select %eq3A_29, %get3A_32, %broadcast_in_dim3A : vector<128x16xi1>, vector<128x16xf32>
    %reduce_sum3A = arith.constant dense<0.000000e+00> : vector<128xf32>
    %reduce_sum3A_33 = vector.multi_reduction <add>, %select_n3A, %reduce_sum3A [1] : vector<128x16xf32> to vector<128xf32>
    %broadcast_in_dim3A_34 = vector.shape_cast %reduce_sum3A_33 : vector<128xf32> to vector<128x1xf32>
    %mul3A_35 = vector.broadcast %broadcast_in_dim3A_34 : vector<128x1xf32> to vector<128x1024xf32>
    %mul3A_36 = arith.mulf %mul3A_27, %mul3A_35 : vector<128x1024xf32>
    %convert_element_type3A_37 = arith.truncf %mul3A_36 : vector<128x1024xf32> to vector<128x1024xbf16>
    %get3A_38 = arith.constant 0 : index
    %get3A_39 = arith.constant 0 : index
    %get3A_40 = arith.constant 0 : index
    %get3A_41 = vector.load %arg6[%get3A_38, %get3A_39, %get3A_40] : memref<1x1024x1024xf32, #tpu.memory_space<vmem>>, vector<1x1024x1024xf32>
    %get3A_42 = vector.shape_cast %get3A_41 : vector<1x1024x1024xf32> to vector<1024x1024xf32>
    %convert_element_type3A_43 = arith.truncf %get3A_42 : vector<1024x1024xf32> to vector<1024x1024xbf16>
    %dot_general3A_44 = arith.constant dense<0.000000e+00> : vector<128x1024xf32>
    %dot_general3A_45 = tpu.matmul %convert_element_type3A_37, %convert_element_type3A_43, %dot_general3A_44 {dimension_numbers = #tpu.dot_dimension_numbers<[1], [1], [0], [0], [0, 0, 1, 0], [], []>, transpose_lhs_hint = false} : vector<128x1024xbf16>, vector<1024x1024xbf16>, vector<128x1024xf32> -> vector<128x1024xf32>
    %get3A_46 = arith.constant 0 : index
    %get3A_47 = arith.constant 0 : index
    %get3A_48 = vector.load %arg7[%get3A_46, %get3A_47] : memref<128x1024xf32, #tpu.memory_space<vmem>>, vector<128x1024xf32>
    %add3A = arith.addf %get3A_48, %dot_general3A_45 : vector<128x1024xf32>
    %swap3A = arith.constant 0 : index
    %swap3A_49 = arith.constant 0 : index
    %swap3A_50 = vector.load %arg7[%swap3A, %swap3A_49] : memref<128x1024xf32, #tpu.memory_space<vmem>>, vector<128x1024xf32>
    tpu.vector_store %arg7[%swap3A, %swap3A_49], %add3A {strides = array<i32>} : memref<128x1024xf32, #tpu.memory_space<vmem>>, vector<128x1024xf32>,
    return
  }
  func.func @transform_0(%arg0: i32, %arg1: i32) -> (i32, i32) {
    %c0_i32 = arith.constant 0 : i32
    %c0_i32_0 = arith.constant 0 : i32
    %c0_i32_1 = arith.constant 0 : i32
    return %c0_i32, %c0_i32_0 : i32, i32
  }
  func.func @transform_1(%arg0: i32, %arg1: i32) -> (i32, i32) {
    %c0_i32 = arith.constant 0 : i32
    %c0_i32_0 = arith.constant 0 : i32
    %c0_i32_1 = arith.constant 0 : i32
    return %c0_i32, %c0_i32_0 : i32, i32
  }
  func.func @transform_2(%arg0: i32, %arg1: i32) -> (i32, i32, i32) {
    %c0_i32 = arith.constant 0 : i32
    %c0_i32_0 = arith.constant 0 : i32
    return %arg0, %arg1, %c0_i32 : i32, i32, i32
  }
  func.func @transform_3(%arg0: i32, %arg1: i32) -> (i32, i32, i32) {
    %add3A = arith.constant 2 : i32
    %add3A_0 = arith.addi %arg1, %add3A : i32
    %c0_i32 = arith.constant 0 : i32
    %c0_i32_1 = arith.constant 0 : i32
    return %arg0, %add3A_0, %c0_i32 : i32, i32, i32
  }
  func.func @transform_4(%arg0: i32, %arg1: i32) -> (i32, i32, i32) {
    %c0_i32 = arith.constant 0 : i32
    %c0_i32_0 = arith.constant 0 : i32
    return %arg0, %c0_i32, %arg1 : i32, i32, i32
  }
  func.func @transform_5(%arg0: i32, %arg1: i32) -> (i32, i32) {
    %c0_i32 = arith.constant 0 : i32
    %c0_i32_0 = arith.constant 0 : i32
    %c0_i32_1 = arith.constant 0 : i32
    return %c0_i32, %c0_i32_0 : i32, i32
  }
}

</mosaic_0001>

<sc_bundles>
// kernel: kernel.5.cloned.1.call-start
scs
__scs_entry_jumppad:
0x0: {  	(pc) =	sbr.rel $0x88, $3  }
0x1: {  	(tag) =	ssettag $0x0;
	lr =	simm.s32 $0x1  }
0x2: {  	[smem:$0x3F9C] =	sst lr;
	_ =	strace $0xD0000000  }
0x3: {  	_ = 	snop  }
0x4: {  	_ = 	snop  }
0x5: {  	_ = 	snop  }
0x6: {  	_ = 	snop  }
0x7: {  	_ = 	snop  }
__scs_overlays_trampoline_lowered:
0x8: {  	[smem:$0x3FAB] =	sst s0  }
0x9: {  	[smem:$0x3FAC] =	sst s1  }
0xa: {  	[smem:$0x3FAD] =	sst s2  }
0xb: {  	[smem:$0x3FAE] =	sst s3  }
0xc: {  	[smem:$0x3FAF] =	sst s4  }
0xd: {  	[smem:$0x3FB0] =	sst s5  }
0xe: {  	[smem:$0x3FB1] =	sst s6  }
0xf: {  	[smem:$0x3FB2] =	sst s7  }
0x10: {  	[smem:$0x3FB3] =	sst s8  }
0x11: {  	[smem:$0x3FB4] =	sst s9;
	s0 =	simm.s32 @!p0 $0x0  }
0x12: {  	s1 =	sld [smem:$0x3F9A];
	s0 =	simm.s32 @p0 $0x1  }
0x13: {  	[smem:$0x3FB5] =	sst s0;
	s0 =	simm.s32 @!p1 $0x0  }
0x14: {  	s2 =	sld [smem:$0x3F99];
	s0 =	simm.s32 @p1 $0x1  }
0x15: {  	[smem:$0x3FB6] =	sst s0;
	s0 =	simm.s32 @!p2 $0x0  }
0x16: {  	s3 =	sld [smem:$0x3FDB];
	s0 =	simm.s32 @p2 $0x1  }
0x17: {  	s4 =	simm.s32 $0x1BF5;
	[smem:$0x3FB8] =	sst s0  }
0x18: {  	s0 =	sld [smem:$0x3F9B];
	_ =	swait.ge [sflag:s4], $0x0  }
0x19: {  	s7 =	sld [smem:$0x3F9C]  }
0x1a: {  	s8 =	sadd.s32 $0xFFFFE003, lr  }
0x1b: {  	s9 =	sadd.s32 $0xFFFFFEF7, lr;
	s5 =	simm.s32 $0xFFFFFFFF;
	p2 =	slt.u32 s8, $0xFFFFF086  }
0x1c: {  	p1 =	slt.u32 s9, $0xF7A;
	s5 =	simm.s32 @!p2 $0x0  }
0x1d: {  	s5 =	simm.s32 @p1 $0x1;
	p0 =	seq.s32 s7, s2  }
0x1e: {  	s7 =	smul.u32 @!p0 $0xF7A, s2;
	p2 =	seq.s32 @!p0 s5, $0x0  }
0x1f: {  	s9 =	smul.u32 $0xF7A, s1;
	s8 =	simm.s32 @!p0 $0x1BF5;
	p2 =	por !p2, p0  }
0x20: {  	[sflag:s8] =	ssyncset.s32 @!p0 $0xFFFFF086;
	s6 =	sadd.s32 @!p0 s3, s7;
	s7 =	simm.s32 @!p0 $0x108  }
0x21: {  	s3 =	sadd.s32 s3, s9;
	s6 =	sadd.s32 @!p0 $0x88, s6;
	s7 =	simm.s32 @p2 $0x1082  }
0x22: {  	[simem:s7], [sflag:s8] =	dma.local @!p0 [hbm:s6], $0xF7A  }
0x23: {  	s9 =	sor.u32 $0xD0000000, s2;
	s6 =	simm.s32 $0x108;
	_ =	swait.ge @!p0 [sflag:s8], $0x0  }
0x24: {  	s3 =	sadd.s32 $0x88, s3;
	s6 =	simm.s32 @!p1 $0x1082;
	[sflag:s4] =	ssyncset.s32 $0xFFFFF086  }
0x25: {  	[simem:s6], [sflag:s4] =	dma.local [hbm:s3], $0xF7A  }
0x26: {  	[smem:$0x3F9C] =	sst s1;
	(tag) =	ssettag s2;
	_ =	strace s9  }
0x27: {  	s1 =	sld [smem:$0x3FAC]  }
0x28: {  	s2 =	sld [smem:$0x3FAD]  }
0x29: {  	s4 =	sld [smem:$0x3FAF]  }
0x2a: {  	p0 =	seq.s32 s5, $0x0;
	s5 =	sld [smem:$0x3FB0]  }
0x2b: {  	s6 =	sld [smem:$0x3FB1]  }
0x2c: {  	s7 =	sld [smem:$0x3FB2]  }
0x2d: {  	s3 =	simm.s32 $0x108;
	s8 =	sld [smem:$0x3FB3]  }
0x2e: {  	s3 =	simm.s32 @!p0 $0x1082;
	s9 =	sld [smem:$0x3FB4]  }
0x2f: {  	lr =	sadd.s32 s0, s3;
	s0 =	sld [smem:$0x3FAB]  }
0x30: {  	s3 =	sld [smem:$0x3FAE]  }
0x31: {  	[smem:$0x3FB7] =	sst s10  }
0x32: {  	s10 =	sld [smem:$0x3FB5];
	_ =	sdelay $0x3  }
0x33: {  	p0 =	seq.s32 s10, $0x1;
	s10 =	sld [smem:$0x3FB7];
	_ =	sdelay $0x3  }
0x34: {  	[smem:$0x3FB7] =	sst s10  }
0x35: {  	s10 =	sld [smem:$0x3FB6];
	_ =	sdelay $0x3  }
0x36: {  	p1 =	seq.s32 s10, $0x1;
	s10 =	sld [smem:$0x3FB7];
	_ =	sdelay $0x3  }
0x37: {  	[smem:$0x3FB7] =	sst s10  }
0x38: {  	s10 =	sld [smem:$0x3FB8]  }
0x39: {  	_ = 	snop;
	(pc) =	sbr.ind lr, $3  }
0x3a: {  	_ = 	snop  }
0x3b: {  	_ = 	snop  }
0x3c: {  	p2 =	seq.s32 s10, $0x1;
	s10 =	sld [smem:$0x3FB7]  }
0x3d: {  	_ =	shalt  }
0x3e: {  	_ =	shalt  }
0x3f: {  	_ =	shalt  }
0x40: {  	_ =	shalt  }
0x41: {  	_ =	shalt  }
0x42: {  	_ =	shalt  }
0x43: {  	_ =	shalt  }
0x44: {  	_ =	shalt  }
0x45: {  	_ =	shalt  }
0x46: {  	_ =	shalt  }
0x47: {  	_ =	shalt  }
0x48: {  	_ =	shalt  }
0x49: {  	_ =	shalt  }
0x4a: {  	_ =	shalt  }
0x4b: {  	_ =	shalt  }
0x4c: {  	_ =	shalt  }
0x4d: {  	_ =	shalt  }
0x4e: {  	_ =	shalt  }
0x4f: {  	_ =	shalt  }
0x50: {  	_ =	shalt  }
0x51: {  	_ =	shalt  }
0x52: {  	_ =	shalt  }
0x53: {  	_ =	shalt  }
0x54: {  	_ =	shalt  }
0x55: {  	_ =	shalt  }
0x56: {  	_ =	shalt  }
0x57: {  	_ =	shalt  }
0x58: {  	_ =	shalt  }
0x59: {  	_ =	shalt  }
0x5a: {  	_ =	shalt  }
0x5b: {  	_ =	shalt  }
0x5c: {  	_ =	shalt  }
0x5d: {  	_ =	shalt  }
0x5e: {  	_ =	shalt  }
0x5f: {  	_ =	shalt  }
0x60: {  	_ =	shalt  }
0x61: {  	_ =	shalt  }
0x62: {  	_ =	shalt  }
0x63: {  	_ =	shalt  }
0x64: {  	_ =	shalt  }
0x65: {  	_ =	shalt  }
0x66: {  	_ =	shalt  }
0x67: {  	_ =	shalt  }
0x68: {  	_ =	shalt  }
0x69: {  	_ =	shalt  }
0x6a: {  	_ =	shalt  }
0x6b: {  	_ =	shalt  }
0x6c: {  	_ =	shalt  }
0x6d: {  	_ =	shalt  }
0x6e: {  	_ =	shalt  }
0x6f: {  	_ =	shalt  }
0x70: {  	_ =	shalt  }
0x71: {  	_ =	shalt  }
0x72: {  	_ =	shalt  }
0x73: {  	_ =	shalt  }
0x74: {  	_ =	shalt  }
0x75: {  	_ =	shalt  }
0x76: {  	_ =	shalt  }
0x77: {  	_ =	shalt  }
0x78: {  	_ =	shalt  }
0x79: {  	_ =	shalt  }
0x7a: {  	_ =	shalt  }
0x7b: {  	_ =	shalt  }
0x7c: {  	_ =	shalt  }
0x7d: {  	_ =	shalt  }
0x7e: {  	_ =	shalt  }
0x7f: {  	_ =	shalt  }
0x80: {  	_ =	shalt  }
0x81: {  	_ =	shalt  }
0x82: {  	_ =	shalt  }
0x83: {  	_ =	shalt  }
0x84: {  	_ =	shalt  }
0x85: {  	_ =	shalt  }
0x86: {  	_ =	shalt  }
0x87: {  	_ =	shalt  }
.Lfunc_end0:
.L_simem_size_0:
called_computation_lowered:
.L_overlay_start_0:
0x88: {  	s0 =	sld [smem:$0x3FD9]  }
0x89: {  	s1 =	sld [smem:$0x3FFE];
	_ =	sdelay $0x3  }
0x8a: {  	s0 =	sadd.s32 s1, s0  }
0x8b: {  	[smem:$0x3FC3] =	sst s0  }
0x8c: {  	_ = 	snop  }
0x8d: {  	s0 =	sld [smem:$0x3FD0];
	(tm) =	ssettm $0x1  }
0x8e: {  	s16 =	sld [smem:$0x3FFB];
	_ =	sdelay $0x3  }
0x8f: {  	_ =	strace s16  }
0x90: {  	s1 =	sld [smem:$0x3FFC];
	_ =	sdelay $0x3  }
0x91: {  	_ =	strace s1  }
0x92: {  	s1 =	sld [smem:$0x3FFD];
	_ =	sdelay $0x3  }
0x93: {  	_ =	strace s1  }
0x94: {  	_ =	strace $0x8FFFFFFF  }
0x95: {  	s17 =	sld [smem:$0x3FDB];
	_ =	sdelay $0x1  }
0x96: {  	s2 =	simm.s32 $_scs_section_size  }
0x97: {  	s3 =	simm.s32 $_size__tile_overlayer_lowered;
	s4 =	simm.s32 $_tile_overlayer_lowered  }
0x98: {  	s20 =	simm.s32 $0x1BFF;
	s19 =	sshll.u32 s4, $0x1;
	s1 =	sadd.s32 s2, s17  }
0x99: {  	s5 =	simm.s32 $0x0;
	s18 =	sshll.u32 s3, $0x1;
	s3 =	sadd.s32 s19, s1  }
0x9a: {  	[timem:s5], [sflag:s20] =	dma.local [hbm:s3], s18  }
0x9b: {  	_ =	swait.ge [sflag:s20], s18  }
0x9c: {  	s2 =	ssub.s32 $0x0, s18;
	[sflag:s20] =	ssyncset.done $0x0  }
0x9d: {  	[sflag:s20] =	ssyncadd.s32 s2;
	_ =	sdelay $0x1  }
0x9e: {  	s21 =	simm.s32 $0x1B8B  }
0x9f: {  	_ =	swait.ge [sflag:s21], $0x1  }
0xa0: {  	[sflag:s21] =	ssyncset.done $0x0  }
0xa1: {  	s23 =	simm.s32 $0x1B8E;
	s22 =	sld [smem:$0x3FFE];
	[sflag:s21] =	ssyncadd.s32 $0xFFFFFFFF  }
0xa2: {  	s24 =	simm.s32 $execute0_lowered;
	[smem:$0x3FD2] =	sst s23  }
0xa3: {  	s3 =	sshll.u32 s24, $0x1;
	_ =	strace $0x80000046;
	[dreg:$0x1] =	wrdreg $0xFFFFFFFF  }
0xa4: {  	s25 =	simm.s32 $_size_execute0_lowered;
	s1 =	sadd.s32 s1, s3;
	[dreg:$0x0] =	wrdreg $0x0  }
0xa5: {  	s3 =	sshll.u32 s25, $0x1;
	[dreg:$0x2] =	wrdreg s1  }
0xa6: {  	[dreg:$0x3] =	wrdreg s3  }
0xa7: {  	[dreg:$0x4] =	wrdreg $0xC0  }
0xa8: {  	_ =	task [dreg:s5], $0x5FFFF  }
0xa9: {  	[dreg:$0x1] =	wrdreg $0xFFFFFFFF  }
0xaa: {  	[dreg:$0x0] =	wrdreg $0x60  }
0xab: {  	[dreg:$0x2] =	wrdreg s0  }
0xac: {  	[dreg:$0x3] =	wrdreg s22  }
0xad: {  	[dreg:$0x4] =	wrdreg $0x9  }
0xae: {  	_ =	task.clear_ibuf [dreg:s5], $0x5FFFF;
	_ =	strace $0x90000046  }
0xaf: {  	s26 =	simm.s32 $0x9;
	_ =	strace $0x80000048  }
0xb0: {  	_ =	swait.ge [sflag:s26], $0x1  }
0xb1: {  	[sflag:s26] =	ssyncadd.s32 $0xFFFFFFFF  }
0xb2: {  	_ =	strace $0x90000048  }
0xb3: {  	_ =	sfence  }
0xb4: {  	s28 =	sld [smem:$0x0];
	_ =	sdelay $0x1  }
0xb5: {  	s29 =	srdreg.scid  }
0xb6: {  	s30 =	sshll.u32 s29, $0xD;
	s31 =	sshrl.u32 s29, $0x2  }
0xb7: {  	s2 =	sand.u32 $0x4000, s30;
	s1 =	sand.u32 $0x1, s29;
	s0 =	sadd.s32 s31, s28  }
0xb8: {  	s1 =	sor.u32 s2, s1;
	s0 =	sshll.u32 s0, $0x11  }
0xb9: {  	s0 =	sor.u32 s0, s1  }
0xba: {  	s0 =	sadd.s32 $0x8F2B, s0  }
0xbb: {  	[sflag:s0] =	ssyncadd.remote.s32 $0x1  }
0xbc: {  	_ =	sfence.sel $0xFFFF  }
0xbd: {  	[dreg:$0x0] =	wrdreg $0xFFFFFFFF;
	(pc) =	sbr.abs _section_cstart, $3  }
0xbe: {  	[dreg:$0x1] =	wrdreg $0xFFFFFFFF  }
0xbf: {  	_ =	task.clear_ibuf [dreg:s5], $0x2FFFF;
	_ =	strace $0x9FFFFFFF  }
0xc0: {  	(tm) =	ssettm $0x7FFFFFFF  }
0xc1: {  	_ =	shalt  }
tec
execute0_lowered:
.L_overlay_start_1:
0x0: {  	(tag) =	ssettag $0x1  }
0x1: {  	s4 =	rddreg [dreg:$0x0]  }
0x2: {  	s3 =	rddreg [dreg:$0x1]  }
0x3: {  	s0 =	rddreg [dreg:$0x2];
	s2 =	simm.s32 $0x0;
	s1 =	stileid.u32  }
0x4: {  	[smem:$0x7FF] =	sst s2;
	s5 =	sshll.u32 s1, $0x7  }
0x5: {  	s22 =	simm.s32 $0x1;
	_ =	strace $0x80000047;
	s4 =	sadd.s32 s4, s5  }
0x6: {  	[tilespmem:s2], [sflag:$0x1] =	stream.linear.gather [hbm4b:s4+s2], $0x400, $0x38;
	[tilespmem:$0x800] =	vst v63  }
0x7: {  	_ =	swait.ge [sflag:s22], $0x400  }
0x8: {  	[sflag:s22] =	ssyncset.done $0x0  }
0x9: {  	[sflag:s22] =	ssyncadd.s32 $0xFFFFFC00  }
0xa: {  	v0 =	vld [tilespmem:$0x0];
	_ =	sdelay $0x4  }
0xb: {  	(xrf0) =	vmax.scan.msk.f32 $0xffff, v0;
	_ =	sdelay $0x5  }
0xc: {  	v1, _, _ =	vpop (xrf0)  }
0xd: {  	v1 =	vbroadcast v1, $0xF;
	_ =	sdelay $0x1  }
0xe: {  	v0 =	vsub.f32 v0, v1;
	_ =	sdelay $0x1  }
0xf: {  	v0 =	vmul.f32 $1.442695020e+00, v0;
	_ =	sdelay $0x1  }
0x10: {  	(erf) = vpow2.f32 v0;
	_ =	sdelay $0x8  }
0x11: {  	v0 =	vpop (erf)  }
0x12: {  	(xrf2) =	vadd.scan.msk.f32 $0xffff, v0;
	_ =	sdelay $0x9  }
0x13: {  	v30, _, _ =	vpop (xrf2)  }
0x14: {  	v1 =	vbroadcast v30, $0xF;
	_ =	sdelay $0x1  }
0x15: {  	(erf) = vrcp.f32 v1;
	_ =	sdelay $0x8  }
0x16: {  	v1 =	vpop (erf)  }
0x17: {  	v2 =	vmul.f32 v1, v0;
	_ =	sdelay $0x1  }
0x18: {  	(xrf0) =	vmax.scan.msk.f32 $0xffff, v2;
	_ =	sdelay $0x5  }
0x19: {  	v31, _, _ =	vpop (xrf0)  }
0x1a: {  	v5 =	vld [tilespmem:$0x80];
	v32 =	vbroadcast v31, $0xF  }
0x1b: {  	v33 =	vlaneseq.u32  }
0x1c: {  	v3 =	vor.u32 $0x80000000, v33;
	vm0 =	vge.f32 v2, v32  }
0x1d: {  	v2 =	vnsel vm0, $0x80000010, v3  }
0x1e: {  	(xrf0) =	vmin.scan.msk.u32 $0xffff, v2  }
0x1f: {  	(xrf0) =	vmax.scan.msk.f32 $0xffff, v5;
	_ =	sdelay $0x4  }
0x20: {  	v4, _, _ =	vpop (xrf0)  }
0x21: {  	v34, _, _ =	vpop (xrf0)  }
0x22: {  	v2 =	vbroadcast v34, $0xF;
	_ =	sdelay $0x1  }
0x23: {  	v2 =	vsub.f32 v5, v2;
	_ =	sdelay $0x1  }
0x24: {  	v2 =	vmul.f32 $1.442695020e+00, v2;
	_ =	sdelay $0x1  }
0x25: {  	(erf) = vpow2.f32 v2;
	_ =	sdelay $0x8  }
0x26: {  	v2 =	vpop (erf)  }
0x27: {  	(xrf2) =	vadd.scan.msk.f32 $0xffff, v2;
	_ =	sdelay $0x9  }
0x28: {  	v35, _, _ =	vpop (xrf2)  }
0x29: {  	v5 =	vbroadcast v35, $0xF;
	_ =	sdelay $0x1  }
0x2a: {  	(erf) = vrcp.f32 v5;
	_ =	sdelay $0x8  }
0x2b: {  	v5 =	vpop (erf)  }
0x2c: {  	v5 =	vmul.f32 v5, v2;
	_ =	sdelay $0x1  }
0x2d: {  	(xrf0) =	vmax.scan.msk.f32 $0xffff, v5;
	_ =	sdelay $0x5  }
0x2e: {  	v36, _, _ =	vpop (xrf0)  }
0x2f: {  	v6 =	vld [tilespmem:$0x100];
	v2 =	vbroadcast v36, $0xF;
	_ =	sdelay $0x1  }
0x30: {  	vm13 =	vge.f32 v5, v2  }
0x31: {  	v5 =	vnsel vm13, $0x80000010, v3  }
0x32: {  	(xrf0) =	vmin.scan.msk.u32 $0xffff, v5  }
0x33: {  	(xrf0) =	vmax.scan.msk.f32 $0xffff, v6;
	_ =	sdelay $0x4  }
0x34: {  	v7, _, _ =	vpop (xrf0)  }
0x35: {  	v37, _, _ =	vpop (xrf0)  }
0x36: {  	v5 =	vbroadcast v37, $0xF;
	_ =	sdelay $0x1  }
0x37: {  	v5 =	vsub.f32 v6, v5;
	_ =	sdelay $0x1  }
0x38: {  	v5 =	vmul.f32 $1.442695020e+00, v5;
	_ =	sdelay $0x1  }
0x39: {  	(erf) = vpow2.f32 v5;
	_ =	sdelay $0x8  }
0x3a: {  	v5 =	vpop (erf)  }
0x3b: {  	(xrf2) =	vadd.scan.msk.f32 $0xffff, v5;
	_ =	sdelay $0x9  }
0x3c: {  	v38, _, _ =	vpop (xrf2)  }
0x3d: {  	v6 =	vbroadcast v38, $0xF;
	_ =	sdelay $0x1  }
0x3e: {  	(erf) = vrcp.f32 v6;
	_ =	sdelay $0x8  }
0x3f: {  	v6 =	vpop (erf)  }
0x40: {  	v6 =	vmul.f32 v6, v5;
	_ =	sdelay $0x1  }
0x41: {  	(xrf0) =	vmax.scan.msk.f32 $0xffff, v6;
	_ =	sdelay $0x5  }
0x42: {  	v39, _, _ =	vpop (xrf0)  }
0x43: {  	v8 =	vld [tilespmem:$0x180];
	v5 =	vbroadcast v39, $0xF;
	_ =	sdelay $0x1  }
0x44: {  	vm14 =	vge.f32 v6, v5  }
0x45: {  	v6 =	vnsel vm14, $0x80000010, v3  }
0x46: {  	(xrf0) =	vmin.scan.msk.u32 $0xffff, v6  }
0x47: {  	(xrf0) =	vmax.scan.msk.f32 $0xffff, v8;
	_ =	sdelay $0x4  }
0x48: {  	v6, _, _ =	vpop (xrf0)  }
0x49: {  	v9, _, _ =	vpop (xrf0)  }
0x4a: {  	v9 =	vbroadcast v9, $0xF;
	_ =	sdelay $0x1  }
0x4b: {  	v8 =	vsub.f32 v8, v9;
	_ =	sdelay $0x1  }
0x4c: {  	v8 =	vmul.f32 $1.442695020e+00, v8;
	_ =	sdelay $0x1  }
0x4d: {  	(erf) = vpow2.f32 v8;
	_ =	sdelay $0x8  }
0x4e: {  	v8 =	vpop (erf)  }
0x4f: {  	(xrf2) =	vadd.scan.msk.f32 $0xffff, v8;
	_ =	sdelay $0x9  }
0x50: {  	v40, _, _ =	vpop (xrf2)  }
0x51: {  	v9 =	vbroadcast v40, $0xF;
	_ =	sdelay $0x1  }
0x52: {  	(erf) = vrcp.f32 v9;
	_ =	sdelay $0x8  }
0x53: {  	v9 =	vpop (erf)  }
0x54: {  	v8 =	vmul.f32 v9, v8;
	_ =	sdelay $0x1  }
0x55: {  	(xrf0) =	vmax.scan.msk.f32 $0xffff, v8;
	_ =	sdelay $0x5  }
0x56: {  	v41, _, _ =	vpop (xrf0)  }
0x57: {  	v10 =	vld [tilespmem:$0x200];
	v9 =	vbroadcast v41, $0xF;
	_ =	sdelay $0x1  }
0x58: {  	vm15 =	vge.f32 v8, v9  }
0x59: {  	v8 =	vnsel vm15, $0x80000010, v3  }
0x5a: {  	(xrf0) =	vmin.scan.msk.u32 $0xffff, v8  }
0x5b: {  	(xrf0) =	vmax.scan.msk.f32 $0xffff, v10;
	_ =	sdelay $0x4  }
0x5c: {  	v8, _, _ =	vpop (xrf0)  }
0x5d: {  	v11, _, _ =	vpop (xrf0)  }
0x5e: {  	v11 =	vbroadcast v11, $0xF;
	_ =	sdelay $0x1  }
0x5f: {  	v10 =	vsub.f32 v10, v11;
	_ =	sdelay $0x1  }
0x60: {  	v10 =	vmul.f32 $1.442695020e+00, v10;
	_ =	sdelay $0x1  }
0x61: {  	(erf) = vpow2.f32 v10;
	_ =	sdelay $0x8  }
0x62: {  	v10 =	vpop (erf)  }
0x63: {  	(xrf2) =	vadd.scan.msk.f32 $0xffff, v10;
	_ =	sdelay $0x9  }
0x64: {  	v42, _, _ =	vpop (xrf2)  }
0x65: {  	v11 =	vbroadcast v42, $0xF;
	_ =	sdelay $0x1  }
0x66: {  	(erf) = vrcp.f32 v11;
	_ =	sdelay $0x8  }
0x67: {  	v11 =	vpop (erf)  }
0x68: {  	v10 =	vmul.f32 v11, v10;
	_ =	sdelay $0x1  }
0x69: {  	(xrf0) =	vmax.scan.msk.f32 $0xffff, v10;
	_ =	sdelay $0x5  }
0x6a: {  	v43, _, _ =	vpop (xrf0)  }
0x6b: {  	v12 =	vld [tilespmem:$0x280];
	v11 =	vbroadcast v43, $0xF;
	_ =	sdelay $0x1  }
0x6c: {  	vm4 =	vge.f32 v10, v11  }
0x6d: {  	v10 =	vnsel vm4, $0x80000010, v3  }
0x6e: {  	(xrf0) =	vmin.scan.msk.u32 $0xffff, v10  }
0x6f: {  	(xrf0) =	vmax.scan.msk.f32 $0xffff, v12;
	_ =	sdelay $0x4  }
0x70: {  	v10, _, _ =	vpop (xrf0)  }
0x71: {  	v13, _, _ =	vpop (xrf0)  }
0x72: {  	v13 =	vbroadcast v13, $0xF;
	_ =	sdelay $0x1  }
0x73: {  	v12 =	vsub.f32 v12, v13;
	_ =	sdelay $0x1  }
0x74: {  	v12 =	vmul.f32 $1.442695020e+00, v12;
	_ =	sdelay $0x1  }
0x75: {  	(erf) = vpow2.f32 v12;
	_ =	sdelay $0x8  }
0x76: {  	v12 =	vpop (erf)  }
0x77: {  	(xrf2) =	vadd.scan.msk.f32 $0xffff, v12;
	_ =	sdelay $0x9  }
0x78: {  	v44, _, _ =	vpop (xrf2)  }
0x79: {  	v13 =	vbroadcast v44, $0xF;
	_ =	sdelay $0x1  }
0x7a: {  	(erf) = vrcp.f32 v13;
	_ =	sdelay $0x8  }
0x7b: {  	v13 =	vpop (erf)  }
0x7c: {  	v12 =	vmul.f32 v13, v12;
	_ =	sdelay $0x1  }
0x7d: {  	(xrf0) =	vmax.scan.msk.f32 $0xffff, v12;
	_ =	sdelay $0x5  }
0x7e: {  	v45, _, _ =	vpop (xrf0)  }
0x7f: {  	v14 =	vld [tilespmem:$0x300];
	v13 =	vbroadcast v45, $0xF;
	_ =	sdelay $0x1  }
0x80: {  	vm5 =	vge.f32 v12, v13  }
0x81: {  	v12 =	vnsel vm5, $0x80000010, v3  }
0x82: {  	(xrf0) =	vmin.scan.msk.u32 $0xffff, v12  }
0x83: {  	(xrf0) =	vmax.scan.msk.f32 $0xffff, v14;
	_ =	sdelay $0x4  }
0x84: {  	v12, _, _ =	vpop (xrf0)  }
0x85: {  	v15, _, _ =	vpop (xrf0)  }
0x86: {  	v15 =	vbroadcast v15, $0xF;
	_ =	sdelay $0x1  }
0x87: {  	v14 =	vsub.f32 v14, v15;
	_ =	sdelay $0x1  }
0x88: {  	v14 =	vmul.f32 $1.442695020e+00, v14;
	_ =	sdelay $0x1  }
0x89: {  	(erf) = vpow2.f32 v14;
	_ =	sdelay $0x8  }
0x8a: {  	v14 =	vpop (erf)  }
0x8b: {  	(xrf2) =	vadd.scan.msk.f32 $0xffff, v14;
	_ =	sdelay $0x9  }
0x8c: {  	v46, _, _ =	vpop (xrf2)  }
0x8d: {  	v15 =	vbroadcast v46, $0xF;
	_ =	sdelay $0x1  }
0x8e: {  	(erf) = vrcp.f32 v15;
	_ =	sdelay $0x8  }
0x8f: {  	v15 =	vpop (erf)  }
0x90: {  	v14 =	vmul.f32 v15, v14;
	_ =	sdelay $0x1  }
0x91: {  	(xrf0) =	vmax.scan.msk.f32 $0xffff, v14;
	_ =	sdelay $0x5  }
0x92: {  	v47, _, _ =	vpop (xrf0)  }
0x93: {  	v16 =	vld [tilespmem:$0x380];
	v15 =	vbroadcast v47, $0xF;
	_ =	sdelay $0x1  }
0x94: {  	vm6 =	vge.f32 v14, v15  }
0x95: {  	v14 =	vnsel vm6, $0x80000010, v3  }
0x96: {  	(xrf0) =	vmin.scan.msk.u32 $0xffff, v14  }
0x97: {  	(xrf0) =	vmax.scan.msk.f32 $0xffff, v16;
	_ =	sdelay $0x4  }
0x98: {  	v14, _, _ =	vpop (xrf0)  }
0x99: {  	v17, _, _ =	vpop (xrf0)  }
0x9a: {  	v17 =	vbroadcast v17, $0xF;
	_ =	sdelay $0x1  }
0x9b: {  	v16 =	vsub.f32 v16, v17;
	_ =	sdelay $0x1  }
0x9c: {  	v16 =	vmul.f32 $1.442695020e+00, v16;
	_ =	sdelay $0x1  }
0x9d: {  	(erf) = vpow2.f32 v16;
	_ =	sdelay $0x8  }
0x9e: {  	v16 =	vpop (erf)  }
0x9f: {  	(xrf2) =	vadd.scan.msk.f32 $0xffff, v16;
	_ =	sdelay $0x9  }
0xa0: {  	v48, _, _ =	vpop (xrf2)  }
0xa1: {  	v17 =	vbroadcast v48, $0xF;
	_ =	sdelay $0x1  }
0xa2: {  	(erf) = vrcp.f32 v17;
	_ =	sdelay $0x8  }
0xa3: {  	v17 =	vpop (erf)  }
0xa4: {  	v16 =	vmul.f32 v17, v16;
	_ =	sdelay $0x1  }
0xa5: {  	(xrf0) =	vmax.scan.msk.f32 $0xffff, v16;
	_ =	sdelay $0x5  }
0xa6: {  	v49, _, _ =	vpop (xrf0)  }
0xa7: {  	v17 =	vbroadcast v49, $0xF;
	_ =	sdelay $0x1  }
0xa8: {  	vm7 =	vge.f32 v16, v17  }
0xa9: {  	v3 =	vnsel vm7, $0x80000010, v3  }
0xaa: {  	(v2sf) =	vpush v4, $0xF;
	(xrf0) =	vmin.scan.msk.u32 $0xffff, v3  }
0xab: {  	(v2sf) =	vpush v7, $0xF  }
0xac: {  	(v2sf) =	vpush v6, $0xF  }
0xad: {  	(v2sf) =	vpush v8, $0xF  }
0xae: {  	(v2sf) =	vpush v10, $0xF  }
0xaf: {  	(v2sf) =	vpush v12, $0xF  }
0xb0: {  	(v2sf) =	vpush v14, $0xF;
	v3, _, _ =	vpop (xrf0)  }
0xb1: {  	(v2sf) =	vpush v3, $0xF;
	_ =	sdelay $0x7  }
0xb2: {  	s6 =	spop (v2sf)  }
0xb3: {  	s6 =	sxor.u32 $0x80000000, s6;
	s7 =	spop (v2sf)  }
0xb4: {  	v50 =	vmov s6;
	s7 =	sxor.u32 $0x80000000, s7;
	s23 =	spop (v2sf)  }
0xb5: {  	vm8 =	veq.s32 v50, v33;
	v51 =	vmov s7;
	s6 =	sxor.u32 $0x80000000, s23;
	s24 =	spop (v2sf)  }
0xb6: {  	v1 =	vnsel vm8, $0x0, v32;
	vm9 =	veq.s32 v51, v33;
	v52 =	vmov s6;
	s7 =	sxor.u32 $0x80000000, s24;
	s25 =	spop (v2sf)  }
0xb7: {  	[tilespmem:$0x400] =	vst v1;
	v53 =	vnsel vm9, $0x0, v2;
	vm10 =	veq.s32 v52, v33;
	v54 =	vmov s7;
	s6 =	sxor.u32 $0x80000000, s25;
	s26 =	spop (v2sf)  }
0xb8: {  	[tilespmem:$0x480] =	vst v53;
	v55 =	vnsel vm10, $0x0, v5;
	vm11 =	veq.s32 v54, v33;
	v56 =	vmov s6;
	s7 =	sxor.u32 $0x80000000, s26;
	s28 =	spop (v2sf)  }
0xb9: {  	[tilespmem:$0x500] =	vst v55;
	v57 =	vnsel vm11, $0x0, v9;
	vm12 =	veq.s32 v56, v33;
	v58 =	vmov s7;
	s6 =	sxor.u32 $0x80000000, s28;
	s29 =	spop (v2sf)  }
0xba: {  	[tilespmem:$0x580] =	vst v57;
	v60 =	vnsel vm12, $0x0, v11;
	vm13 =	veq.s32 v58, v33;
	v59 =	vmov s6;
	s30 =	sxor.u32 $0x80000000, s29  }
0xbb: {  	[tilespmem:$0x600] =	vst v60;
	v62 =	vnsel vm13, $0x0, v13;
	vm14 =	veq.s32 v59, v33;
	v61 =	vmov s30  }
0xbc: {  	[tilespmem:$0x680] =	vst v62;
	v63 =	vnsel vm14, $0x0, v15;
	vm15 =	veq.s32 v61, v33  }
0xbd: {  	s3 =	sadd.s32 s5, s3;
	[tilespmem:$0x700] =	vst v63;
	v0 =	vnsel vm15, $0x0, v17  }
0xbe: {  	s31 =	simm.s32 $0x400;
	s3 =	sadd.s32 $0xC00, s3;
	[tilespmem:$0x780] =	vst v0  }
0xbf: {  	[hbm4b:s3+s2] =	stream.linear.scatter [tilespmem:s31], [sflag:$0x1], $0x400, $0x38;
	[tilespmem:$0x800] =	vst v63  }
0xc0: {  	_ =	swait.ge [sflag:s22], $0x400  }
0xc1: {  	[sflag:s22] =	ssyncset.done $0x0  }
0xc2: {  	[sflag:s22] =	ssyncadd.s32 $0xFFFFFC00  }
0xc3: {  	_ =	sfence.sel $0x180000  }
0xc4: {  	[bflag:$0x0] =	sbarrier.arrive $0xFFFF  }
0xc5: {  	p0 =	sne.s32 s1, $0x0;
	_ =	strace $0x90000047  }
0xc6: {  	s0 =	sadd.s32 @!p0 $0x100000, s0;
	[bflag:$0x2] =	sbarrier.arrive $0xFFFF  }
0xc7: {  	[sflag:s0] =	ssyncadd.tile.s32 @!p0 $0x1;
	_ =	shalt  }
.Lfunc_end2:
_tile_overlayer_lowered:
.L_overlay_start_2:
0xc8: {  	(tag) =	ssettag $0x2  }
0xc9: {  	s0 =	rddreg [dreg:$0x0];
	s2 =	stileid.u32  }
0xca: {  	s1 =	rddreg [dreg:$0x1];
	p0 =	sne.s32 s2, $0x0  }
0xcb: {  	s3 =	rddreg [dreg:$0x2];
	[bflag:$0x3] =	sbarrier.arrive $0xFFFF;
	s2 =	simm.s32 @!p0 $0x1C02  }
0xcc: {  	[timem:s3], [sflag:s2] =	dma.local @!p0 [hbm:s0], s1  }
0xcd: {  	s0 =	simm.s32 @!p0 $0x2  }
0xce: {  	_ =	swait.ge @!p0 [sflag:s0], s1  }
0xcf: {  	s1 =	ssub.s32 @!p0 $0x0, s1;
	[sflag:s0] =	ssyncset.done @!p0 $0x0  }
0xd0: {  	[sflag:s0] =	ssyncadd.s32 @!p0 s1  }
0xd1: {  	[bflag:$0x3] =	sbarrier.arrive $0xFFFF  }
0xd2: {  	_ =	shalt  }

</sc_bundles>
